<compile_context>
chip_gen: v7x
topology: tpu7x:2x2x1
jax: 0.10.2.dev20260603
libtpu: 0.0.44.dev20260713+nightly
codegen_flags: <defaults>
</compile_context>

<pallas_src>
import functools
import jax
import jax.numpy as jnp
from jax import lax
from jax.experimental import pallas as pl
from jax.experimental.pallas import tpu as pltpu
from jax.experimental.pallas import tpu_sc as plsc

N = 100000
D = 128
NCLS = 3
BLK = 20000
GRID = N // BLK

NC = 2
NS = 16
NW = NC * NS
CHUNK = 400
BATCH = 80
NBATCH = CHUNK // BATCH
NCHUNKS = N // CHUNK

TROWS = 60000
SBLK = 5000
TGRID = TROWS // SBLK
CPAD = 8
CBASE = TROWS // CHUNK
KMAX_RAW = -(-(NCHUNKS - CBASE) // NW)
KMAX = KMAX_RAW + (KMAX_RAW % 2)


def _sc_segsum_body(feat_hbm, lab_hbm, out_hbm, ch0, ch1, lb0, lb1, idx_v,
                    zero_v, shared, sem0, sem1, ssem):
    s = lax.axis_index("s")
    c = lax.axis_index("c")
    wid = s * NC + c
    chunk_bufs = (ch0, ch1)
    lab_bufs = (lb0, lb1)
    sems = (sem0, sem1)

    for i in range(NCLS):
        for j in range(D // 16):
            zero_v[i, pl.ds(16 * j, 16)] = jnp.zeros((16,), jnp.float32)
    pltpu.sync_copy(zero_v, shared.at[pl.ds(NCLS * s, NCLS)])

    def start(k, b):
        ci = CBASE + k * NW + wid

        @pl.when(ci < NCHUNKS)
        def _():
            base = ci * CHUNK
            pltpu.async_copy(feat_hbm.at[pl.ds(base, CHUNK)], chunk_bufs[b],
                             sems[b])
            pltpu.async_copy(lab_hbm.at[pl.ds(base, CHUNK)], lab_bufs[b],
                             sems[b])

    def finish(k, b):
        ci = CBASE + k * NW + wid

        @pl.when(ci < NCHUNKS)
        def _():
            pltpu.make_async_copy(feat_hbm.at[pl.ds(0, CHUNK)],
                                  chunk_bufs[b], sems[b]).wait()
            pltpu.make_async_copy(lab_hbm.at[pl.ds(0, CHUNK)],
                                  lab_bufs[b], sems[b]).wait()
            off = NCLS * s
            for j in range(NBATCH):
                for i in range(BATCH // 16):
                    sl = pl.ds(j * BATCH + 16 * i, 16)
                    idx_v[j, pl.ds(16 * i, 16)] = lab_bufs[b][sl] + off
            descs = [
                pltpu.async_copy(
                    chunk_bufs[b].at[pl.ds(j * BATCH, BATCH)],
                    shared.at[idx_v.at[j]],
                    ssem,
                    add=True,
                )
                for j in range(NBATCH)
            ]
            for d in descs:
                d.wait()

    start(0, 0)

    def body(i, carry):
        k0 = 2 * i
        start(k0 + 1, 1)
        finish(k0, 0)
        start(k0 + 2, 0)
        finish(k0 + 1, 1)
        return carry

    lax.fori_loop(0, KMAX // 2, body, 0)
    pltpu.sync_copy(shared.at[pl.ds(NCLS * s, NCLS)], out_hbm.at[wid])


@functools.partial(
    pl.kernel,
    out_type=jax.ShapeDtypeStruct((NW, NCLS, D), jnp.float32),
    mesh=plsc.VectorSubcoreMesh(core_axis_name="c", subcore_axis_name="s"),
    scratch_types=[
        pltpu.VMEM((CHUNK, D), jnp.float32),
        pltpu.VMEM((CHUNK, D), jnp.float32),
        pltpu.VMEM((CHUNK,), jnp.int32),
        pltpu.VMEM((CHUNK,), jnp.int32),
        pltpu.VMEM((NBATCH, BATCH), jnp.int32),
        pltpu.VMEM((NCLS, D), jnp.float32),
        pltpu.VMEM_SHARED((NS * NCLS, D), jnp.float32),
        pltpu.SemaphoreType.DMA,
        pltpu.SemaphoreType.DMA,
        pltpu.SemaphoreType.DMA,
    ],
)
def _sc_segsum(feat_hbm, lab_hbm, out_hbm, ch0, ch1, lb0, lb1, idx_v, zero_v,
               shared, sem0, sem1, ssem):
    _sc_segsum_body(feat_hbm, lab_hbm, out_hbm, ch0, ch1, lb0, lb1, idx_v,
                    zero_v, shared, sem0, sem1, ssem)


def _tc_segsum_body(labels_ref, feat_ref, out_ref):
    step = pl.program_id(0)
    lab = labels_ref[0, 0, :]
    cls = lax.broadcasted_iota(jnp.int32, (CPAD, SBLK), 0)
    onehot = (cls == lab[None, :]).astype(jnp.float32)
    acc = lax.dot_general(
        onehot, feat_ref[...],
        (((1,), (0,)), ((), ())),
        preferred_element_type=jnp.float32,
    )

    @pl.when(step == 0)
    def _():
        out_ref[...] = acc

    @pl.when(step != 0)
    def _():
        out_ref[...] += acc


def _tc_segsum(feature, labels):
    labels3 = labels.reshape(N // SBLK, 1, SBLK)
    return pl.pallas_call(
        _tc_segsum_body,
        grid=(TGRID,),
        in_specs=[
            pl.BlockSpec((1, 1, SBLK), lambda i: (i, 0, 0)),
            pl.BlockSpec((SBLK, D), lambda i: (i, 0)),
        ],
        out_specs=pl.BlockSpec((CPAD, D), lambda i: (0, 0)),
        out_shape=jax.ShapeDtypeStruct((CPAD, D), jnp.float32),
    )(labels3, feature)


def _dense_body(seq_ref, w_ref, part_ref, tcp_ref, out_ref):
    x = seq_ref[...]
    t = x * w_ref[...]
    r = jnp.where(t > 0, t, jnp.exp(t) - 1.0)

    seg = jnp.sum(part_ref[...], axis=0)
    seg = seg + tcp_ref[0:NCLS, :]
    ave = seg * jnp.float32(1.0 / (N // 2))
    an = jnp.sqrt(jnp.sum(ave * ave, axis=1, keepdims=True))
    an = jnp.maximum(an, 1e-8)
    avn = ave / an

    a = lax.dot_general(
        avn, r, (((1,), (1,)), ((), ())),
        preferred_element_type=jnp.float32,
    )
    rr = lax.dot_general(
        jnp.ones((8, D), jnp.float32), r * r, (((1,), (1,)), ((), ())),
        preferred_element_type=jnp.float32,
    )[0:1, :]
    inv_rn = 1.0 / jnp.maximum(jnp.sqrt(rr), 1e-8)
    cos = a * inv_rn

    m = jnp.max(cos, axis=0, keepdims=True)
    e = jnp.exp(cos - m)
    inv_s = 1.0 / jnp.sum(e, axis=0, keepdims=True)
    out_ref[0] = e * inv_s


def _dense(seq, weight, partials, tc_partial):
    return pl.pallas_call(
        _dense_body,
        grid=(GRID,),
        in_specs=[
            pl.BlockSpec((BLK, D), lambda i: (i, 0)),
            pl.BlockSpec((1, D), lambda i: (0, 0)),
            pl.BlockSpec((NW, NCLS, D), lambda i: (0, 0, 0)),
            pl.BlockSpec((CPAD, D), lambda i: (0, 0)),
        ],
        out_specs=pl.BlockSpec((1, NCLS, BLK), lambda i: (i, 0, 0)),
        out_shape=jax.ShapeDtypeStruct((GRID, NCLS, BLK), jnp.float32),
    )(seq, weight, partials, tc_partial)


@jax.jit
def kernel(seq, feature, labels, weight):
    partials = _sc_segsum(feature, labels)
    tc_partial = _tc_segsum(feature, labels)
    out = _dense(seq, weight, partials, tc_partial)
    return out.transpose(0, 2, 1).reshape(N, NCLS)

# --- scband reference (transcript-rebuilt; emitter-appended) ---
"""Pipeline reference for scband-downprompt-61108794687801 (READ-ONLY COPY).

The authoritative reference and input builder live on the scoring server;
editing this copy changes nothing except your own understanding.
"""

import jax, jax.numpy as jnp
import numpy as np

N = 100000
D = 128
NB_CLASSES = 3


def setup_inputs(seed: int = 0) -> dict:
    key = jax.random.key(seed)
    k1, k2, k3, k4 = jax.random.split(key, 4)
    seq = jax.random.normal(k1, (N, D), dtype=jnp.float32)
    feature = jax.random.normal(k2, (N, D), dtype=jnp.float32)
    labels = jax.random.randint(k3, (N,), 0, NB_CLASSES, dtype=jnp.int32)
    # downstreamprompt.weight: xavier_uniform on shape (1, D)
    limit = float(np.sqrt(6.0 / (1.0 + D)))
    weight = jax.random.uniform(k4, (1, D), minval=-limit, maxval=limit, dtype=jnp.float32)
    return {"seq": seq, "feature": feature, "labels": labels, "weight": weight}


def _averageemb(labels, rawret):
    # torch code scatters rows of rawret into a [3, N/2, d] buffer by label,
    # then means over dim=1 (dividing by N/2 slots). Faithful translation:
    # per-class segment sum divided by N//2 (unfilled slots treated as zeros).
    n = rawret.shape[0]
    seg_sum = jax.ops.segment_sum(rawret, labels, num_segments=NB_CLASSES)
    return seg_sum / jnp.float32(n // 2)


def reference(seq, feature, labels, weight):
    # downprompt.__init__: ave = averageemb(labels, feature)  (train=0 path)
    ave = _averageemb(labels, feature)  # [3, D]
    # forward: rawret = ELU(weight * seq)
    rawret = jax.nn.elu(weight * seq)  # [N, D]
    # ret[x][c] = cosine_similarity(rawret[x], ave[c])
    rn = jnp.maximum(jnp.linalg.norm(rawret, axis=1), 1e-8)  # [N]
    an = jnp.maximum(jnp.linalg.norm(ave, axis=1), 1e-8)     # [3]
    cos = (rawret @ ave.T) / (rn[:, None] * an[None, :])      # [N, 3]
    ret = jax.nn.softmax(cos, axis=1)
    return ret

if __name__ == "__main__":
    import jax
    _d = setup_inputs()
    print(jax.jit(kernel)(*tuple(_d.values())))

</pallas_src>

<mosaic_0001>
#map = affine_map<(d0, d1) -> (0, 0)>
#map1 = affine_map<(d0, d1) -> (0)>
#map2 = affine_map<(d0, d1) -> (0, 0, 0)>
module attributes {stable_mosaic.version = 14 : i64} {
  func.func @_sc_segsum(%arg0: i32, %arg1: i32, %arg2: memref<100000x128xf32, #tpu.memory_space<hbm>>, %arg3: memref<100000xi32, #tpu.memory_space<hbm>>, %arg4: memref<32x3x128xf32, #tpu.memory_space<hbm>>, %arg5: memref<400x128xf32, #tpu.memory_space<vmem>>, %arg6: memref<400x128xf32, #tpu.memory_space<vmem>>, %arg7: memref<400xi32, #tpu.memory_space<vmem>>, %arg8: memref<400xi32, #tpu.memory_space<vmem>>, %arg9: memref<5x80xi32, #tpu.memory_space<vmem>>, %arg10: memref<3x128xf32, #tpu.memory_space<vmem>>, %arg11: memref<48x128xf32, #tpu.memory_space<vmem_shared>>, %arg12: memref<!tpu.dma_semaphore, #tpu.memory_space<semaphore_mem>>, %arg13: memref<!tpu.dma_semaphore, #tpu.memory_space<semaphore_mem>>, %arg14: memref<!tpu.dma_semaphore, #tpu.memory_space<semaphore_mem>>) attributes {dimension_semantics = [#tpu.dimension_semantics<core_parallel>, #tpu.dimension_semantics<subcore_parallel>], iteration_bounds = array<i64: 2, 16>, scalar_prefetch = 0 : i64, scratch_operands = 10 : i64, tpu.core_type = #tpu.core_type<sc_vector_subcore>, window_params = [{transform_indices = #map}, {transform_indices = #map1}, {transform_indices = #map2}]} {
    %mul3A = arith.constant 2 : i32
    %mul3A_0 = arith.muli %arg1, %mul3A : i32
    %add3A = arith.addi %mul3A_0, %arg0 : i32
    %broadcast_in_dim3A = arith.constant 0.000000e+00 : f32
    %broadcast_in_dim3A_1 = vector.broadcast %broadcast_in_dim3A : f32 to vector<16xf32>
    %swap3A = arith.constant 0 : i32
    %swap3A_2 = arith.index_cast %swap3A : i32 to index
    %swap3A_3 = arith.constant 0 : index
    %swap3A_4 = tpu.vector_load %arg10[%swap3A_2, %swap3A_3] {strides = array<i32>} : memref<3x128xf32, #tpu.memory_space<vmem>>, vector<1x16xf32>,
    %swap3A_5 = vector.shape_cast %swap3A_4 : vector<1x16xf32> to vector<16xf32>
    %swap3A_6 = vector.shape_cast %broadcast_in_dim3A_1 : vector<16xf32> to vector<1x16xf32>
    tpu.vector_store %arg10[%swap3A_2, %swap3A_3], %swap3A_6 {strides = array<i32>} : memref<3x128xf32, #tpu.memory_space<vmem>>, vector<1x16xf32>,
    %broadcast_in_dim3A_7 = arith.constant 0.000000e+00 : f32
    %broadcast_in_dim3A_8 = vector.broadcast %broadcast_in_dim3A_7 : f32 to vector<16xf32>
    %swap3A_9 = arith.constant 0 : i32
    %swap3A_10 = arith.index_cast %swap3A_9 : i32 to index
    %swap3A_11 = arith.constant 16 : index
    %swap3A_12 = tpu.vector_load %arg10[%swap3A_10, %swap3A_11] {strides = array<i32>} : memref<3x128xf32, #tpu.memory_space<vmem>>, vector<1x16xf32>,
    %swap3A_13 = vector.shape_cast %swap3A_12 : vector<1x16xf32> to vector<16xf32>
    %swap3A_14 = vector.shape_cast %broadcast_in_dim3A_8 : vector<16xf32> to vector<1x16xf32>
    tpu.vector_store %arg10[%swap3A_10, %swap3A_11], %swap3A_14 {strides = array<i32>} : memref<3x128xf32, #tpu.memory_space<vmem>>, vector<1x16xf32>,
    %broadcast_in_dim3A_15 = arith.constant 0.000000e+00 : f32
    %broadcast_in_dim3A_16 = vector.broadcast %broadcast_in_dim3A_15 : f32 to vector<16xf32>
    %swap3A_17 = arith.constant 0 : i32
    %swap3A_18 = arith.index_cast %swap3A_17 : i32 to index
    %swap3A_19 = arith.constant 32 : index
    %swap3A_20 = tpu.vector_load %arg10[%swap3A_18, %swap3A_19] {strides = array<i32>} : memref<3x128xf32, #tpu.memory_space<vmem>>, vector<1x16xf32>,
    %swap3A_21 = vector.shape_cast %swap3A_20 : vector<1x16xf32> to vector<16xf32>
    %swap3A_22 = vector.shape_cast %broadcast_in_dim3A_16 : vector<16xf32> to vector<1x16xf32>
    tpu.vector_store %arg10[%swap3A_18, %swap3A_19], %swap3A_22 {strides = array<i32>} : memref<3x128xf32, #tpu.memory_space<vmem>>, vector<1x16xf32>,
    %broadcast_in_dim3A_23 = arith.constant 0.000000e+00 : f32
    %broadcast_in_dim3A_24 = vector.broadcast %broadcast_in_dim3A_23 : f32 to vector<16xf32>
    %swap3A_25 = arith.constant 0 : i32
    %swap3A_26 = arith.index_cast %swap3A_25 : i32 to index
    %swap3A_27 = arith.constant 48 : index
    %swap3A_28 = tpu.vector_load %arg10[%swap3A_26, %swap3A_27] {strides = array<i32>} : memref<3x128xf32, #tpu.memory_space<vmem>>, vector<1x16xf32>,
    %swap3A_29 = vector.shape_cast %swap3A_28 : vector<1x16xf32> to vector<16xf32>
    %swap3A_30 = vector.shape_cast %broadcast_in_dim3A_24 : vector<16xf32> to vector<1x16xf32>
    tpu.vector_store %arg10[%swap3A_26, %swap3A_27], %swap3A_30 {strides = array<i32>} : memref<3x128xf32, #tpu.memory_space<vmem>>, vector<1x16xf32>,
    %broadcast_in_dim3A_31 = arith.constant 0.000000e+00 : f32
    %broadcast_in_dim3A_32 = vector.broadcast %broadcast_in_dim3A_31 : f32 to vector<16xf32>
    %swap3A_33 = arith.constant 0 : i32
    %swap3A_34 = arith.index_cast %swap3A_33 : i32 to index
    %swap3A_35 = arith.constant 64 : index
    %swap3A_36 = tpu.vector_load %arg10[%swap3A_34, %swap3A_35] {strides = array<i32>} : memref<3x128xf32, #tpu.memory_space<vmem>>, vector<1x16xf32>,
    %swap3A_37 = vector.shape_cast %swap3A_36 : vector<1x16xf32> to vector<16xf32>
    %swap3A_38 = vector.shape_cast %broadcast_in_dim3A_32 : vector<16xf32> to vector<1x16xf32>
    tpu.vector_store %arg10[%swap3A_34, %swap3A_35], %swap3A_38 {strides = array<i32>} : memref<3x128xf32, #tpu.memory_space<vmem>>, vector<1x16xf32>,
    %broadcast_in_dim3A_39 = arith.constant 0.000000e+00 : f32
    %broadcast_in_dim3A_40 = vector.broadcast %broadcast_in_dim3A_39 : f32 to vector<16xf32>
    %swap3A_41 = arith.constant 0 : i32
    %swap3A_42 = arith.index_cast %swap3A_41 : i32 to index
    %swap3A_43 = arith.constant 80 : index
    %swap3A_44 = tpu.vector_load %arg10[%swap3A_42, %swap3A_43] {strides = array<i32>} : memref<3x128xf32, #tpu.memory_space<vmem>>, vector<1x16xf32>,
    %swap3A_45 = vector.shape_cast %swap3A_44 : vector<1x16xf32> to vector<16xf32>
    %swap3A_46 = vector.shape_cast %broadcast_in_dim3A_40 : vector<16xf32> to vector<1x16xf32>
    tpu.vector_store %arg10[%swap3A_42, %swap3A_43], %swap3A_46 {strides = array<i32>} : memref<3x128xf32, #tpu.memory_space<vmem>>, vector<1x16xf32>,
    %broadcast_in_dim3A_47 = arith.constant 0.000000e+00 : f32
    %broadcast_in_dim3A_48 = vector.broadcast %broadcast_in_dim3A_47 : f32 to vector<16xf32>
    %swap3A_49 = arith.constant 0 : i32
    %swap3A_50 = arith.index_cast %swap3A_49 : i32 to index
    %swap3A_51 = arith.constant 96 : index
    %swap3A_52 = tpu.vector_load %arg10[%swap3A_50, %swap3A_51] {strides = array<i32>} : memref<3x128xf32, #tpu.memory_space<vmem>>, vector<1x16xf32>,
    %swap3A_53 = vector.shape_cast %swap3A_52 : vector<1x16xf32> to vector<16xf32>
    %swap3A_54 = vector.shape_cast %broadcast_in_dim3A_48 : vector<16xf32> to vector<1x16xf32>
    tpu.vector_store %arg10[%swap3A_50, %swap3A_51], %swap3A_54 {strides = array<i32>} : memref<3x128xf32, #tpu.memory_space<vmem>>, vector<1x16xf32>,
    %broadcast_in_dim3A_55 = arith.constant 0.000000e+00 : f32
    %broadcast_in_dim3A_56 = vector.broadcast %broadcast_in_dim3A_55 : f32 to vector<16xf32>
    %swap3A_57 = arith.constant 0 : i32
    %swap3A_58 = arith.index_cast %swap3A_57 : i32 to index
    %swap3A_59 = arith.constant 112 : index
    %swap3A_60 = tpu.vector_load %arg10[%swap3A_58, %swap3A_59] {strides = array<i32>} : memref<3x128xf32, #tpu.memory_space<vmem>>, vector<1x16xf32>,
    %swap3A_61 = vector.shape_cast %swap3A_60 : vector<1x16xf32> to vector<16xf32>
    %swap3A_62 = vector.shape_cast %broadcast_in_dim3A_56 : vector<16xf32> to vector<1x16xf32>
    tpu.vector_store %arg10[%swap3A_58, %swap3A_59], %swap3A_62 {strides = array<i32>} : memref<3x128xf32, #tpu.memory_space<vmem>>, vector<1x16xf32>,
    %broadcast_in_dim3A_63 = arith.constant 0.000000e+00 : f32
    %broadcast_in_dim3A_64 = vector.broadcast %broadcast_in_dim3A_63 : f32 to vector<16xf32>
    %swap3A_65 = arith.constant 1 : i32
    %swap3A_66 = arith.index_cast %swap3A_65 : i32 to index
    %swap3A_67 = arith.constant 0 : index
    %swap3A_68 = tpu.vector_load %arg10[%swap3A_66, %swap3A_67] {strides = array<i32>} : memref<3x128xf32, #tpu.memory_space<vmem>>, vector<1x16xf32>,
    %swap3A_69 = vector.shape_cast %swap3A_68 : vector<1x16xf32> to vector<16xf32>
    %swap3A_70 = vector.shape_cast %broadcast_in_dim3A_64 : vector<16xf32> to vector<1x16xf32>
    tpu.vector_store %arg10[%swap3A_66, %swap3A_67], %swap3A_70 {strides = array<i32>} : memref<3x128xf32, #tpu.memory_space<vmem>>, vector<1x16xf32>,
    %broadcast_in_dim3A_71 = arith.constant 0.000000e+00 : f32
    %broadcast_in_dim3A_72 = vector.broadcast %broadcast_in_dim3A_71 : f32 to vector<16xf32>
    %swap3A_73 = arith.constant 1 : i32
    %swap3A_74 = arith.index_cast %swap3A_73 : i32 to index
    %swap3A_75 = arith.constant 16 : index
    %swap3A_76 = tpu.vector_load %arg10[%swap3A_74, %swap3A_75] {strides = array<i32>} : memref<3x128xf32, #tpu.memory_space<vmem>>, vector<1x16xf32>,
    %swap3A_77 = vector.shape_cast %swap3A_76 : vector<1x16xf32> to vector<16xf32>
    %swap3A_78 = vector.shape_cast %broadcast_in_dim3A_72 : vector<16xf32> to vector<1x16xf32>
    tpu.vector_store %arg10[%swap3A_74, %swap3A_75], %swap3A_78 {strides = array<i32>} : memref<3x128xf32, #tpu.memory_space<vmem>>, vector<1x16xf32>,
    %broadcast_in_dim3A_79 = arith.constant 0.000000e+00 : f32
    %broadcast_in_dim3A_80 = vector.broadcast %broadcast_in_dim3A_79 : f32 to vector<16xf32>
    %swap3A_81 = arith.constant 1 : i32
    %swap3A_82 = arith.index_cast %swap3A_81 : i32 to index
    %swap3A_83 = arith.constant 32 : index
    %swap3A_84 = tpu.vector_load %arg10[%swap3A_82, %swap3A_83] {strides = array<i32>} : memref<3x128xf32, #tpu.memory_space<vmem>>, vector<1x16xf32>,
    %swap3A_85 = vector.shape_cast %swap3A_84 : vector<1x16xf32> to vector<16xf32>
    %swap3A_86 = vector.shape_cast %broadcast_in_dim3A_80 : vector<16xf32> to vector<1x16xf32>
    tpu.vector_store %arg10[%swap3A_82, %swap3A_83], %swap3A_86 {strides = array<i32>} : memref<3x128xf32, #tpu.memory_space<vmem>>, vector<1x16xf32>,
    %broadcast_in_dim3A_87 = arith.constant 0.000000e+00 : f32
    %broadcast_in_dim3A_88 = vector.broadcast %broadcast_in_dim3A_87 : f32 to vector<16xf32>
    %swap3A_89 = arith.constant 1 : i32
    %swap3A_90 = arith.index_cast %swap3A_89 : i32 to index
    %swap3A_91 = arith.constant 48 : index
    %swap3A_92 = tpu.vector_load %arg10[%swap3A_90, %swap3A_91] {strides = array<i32>} : memref<3x128xf32, #tpu.memory_space<vmem>>, vector<1x16xf32>,
    %swap3A_93 = vector.shape_cast %swap3A_92 : vector<1x16xf32> to vector<16xf32>
    %swap3A_94 = vector.shape_cast %broadcast_in_dim3A_88 : vector<16xf32> to vector<1x16xf32>
    tpu.vector_store %arg10[%swap3A_90, %swap3A_91], %swap3A_94 {strides = array<i32>} : memref<3x128xf32, #tpu.memory_space<vmem>>, vector<1x16xf32>,
    %broadcast_in_dim3A_95 = arith.constant 0.000000e+00 : f32
    %broadcast_in_dim3A_96 = vector.broadcast %broadcast_in_dim3A_95 : f32 to vector<16xf32>
    %swap3A_97 = arith.constant 1 : i32
    %swap3A_98 = arith.index_cast %swap3A_97 : i32 to index
    %swap3A_99 = arith.constant 64 : index
    %swap3A_100 = tpu.vector_load %arg10[%swap3A_98, %swap3A_99] {strides = array<i32>} : memref<3x128xf32, #tpu.memory_space<vmem>>, vector<1x16xf32>,
    %swap3A_101 = vector.shape_cast %swap3A_100 : vector<1x16xf32> to vector<16xf32>
    %swap3A_102 = vector.shape_cast %broadcast_in_dim3A_96 : vector<16xf32> to vector<1x16xf32>
    tpu.vector_store %arg10[%swap3A_98, %swap3A_99], %swap3A_102 {strides = array<i32>} : memref<3x128xf32, #tpu.memory_space<vmem>>, vector<1x16xf32>,
    %broadcast_in_dim3A_103 = arith.constant 0.000000e+00 : f32
    %broadcast_in_dim3A_104 = vector.broadcast %broadcast_in_dim3A_103 : f32 to vector<16xf32>
    %swap3A_105 = arith.constant 1 : i32
    %swap3A_106 = arith.index_cast %swap3A_105 : i32 to index
    %swap3A_107 = arith.constant 80 : index
    %swap3A_108 = tpu.vector_load %arg10[%swap3A_106, %swap3A_107] {strides = array<i32>} : memref<3x128xf32, #tpu.memory_space<vmem>>, vector<1x16xf32>,
    %swap3A_109 = vector.shape_cast %swap3A_108 : vector<1x16xf32> to vector<16xf32>
    %swap3A_110 = vector.shape_cast %broadcast_in_dim3A_104 : vector<16xf32> to vector<1x16xf32>
    tpu.vector_store %arg10[%swap3A_106, %swap3A_107], %swap3A_110 {strides = array<i32>} : memref<3x128xf32, #tpu.memory_space<vmem>>, vector<1x16xf32>,
    %broadcast_in_dim3A_111 = arith.constant 0.000000e+00 : f32
    %broadcast_in_dim3A_112 = vector.broadcast %broadcast_in_dim3A_111 : f32 to vector<16xf32>
    %swap3A_113 = arith.constant 1 : i32
    %swap3A_114 = arith.index_cast %swap3A_113 : i32 to index
    %swap3A_115 = arith.constant 96 : index
    %swap3A_116 = tpu.vector_load %arg10[%swap3A_114, %swap3A_115] {strides = array<i32>} : memref<3x128xf32, #tpu.memory_space<vmem>>, vector<1x16xf32>,
    %swap3A_117 = vector.shape_cast %swap3A_116 : vector<1x16xf32> to vector<16xf32>
    %swap3A_118 = vector.shape_cast %broadcast_in_dim3A_112 : vector<16xf32> to vector<1x16xf32>
    tpu.vector_store %arg10[%swap3A_114, %swap3A_115], %swap3A_118 {strides = array<i32>} : memref<3x128xf32, #tpu.memory_space<vmem>>, vector<1x16xf32>,
    %broadcast_in_dim3A_119 = arith.constant 0.000000e+00 : f32
    %broadcast_in_dim3A_120 = vector.broadcast %broadcast_in_dim3A_119 : f32 to vector<16xf32>
    %swap3A_121 = arith.constant 1 : i32
    %swap3A_122 = arith.index_cast %swap3A_121 : i32 to index
    %swap3A_123 = arith.constant 112 : index
    %swap3A_124 = tpu.vector_load %arg10[%swap3A_122, %swap3A_123] {strides = array<i32>} : memref<3x128xf32, #tpu.memory_space<vmem>>, vector<1x16xf32>,
    %swap3A_125 = vector.shape_cast %swap3A_124 : vector<1x16xf32> to vector<16xf32>
    %swap3A_126 = vector.shape_cast %broadcast_in_dim3A_120 : vector<16xf32> to vector<1x16xf32>
    tpu.vector_store %arg10[%swap3A_122, %swap3A_123], %swap3A_126 {strides = array<i32>} : memref<3x128xf32, #tpu.memory_space<vmem>>, vector<1x16xf32>,
    %broadcast_in_dim3A_127 = arith.constant 0.000000e+00 : f32
    %broadcast_in_dim3A_128 = vector.broadcast %broadcast_in_dim3A_127 : f32 to vector<16xf32>
    %swap3A_129 = arith.constant 2 : i32
    %swap3A_130 = arith.index_cast %swap3A_129 : i32 to index
    %swap3A_131 = arith.constant 0 : index
    %swap3A_132 = tpu.vector_load %arg10[%swap3A_130, %swap3A_131] {strides = array<i32>} : memref<3x128xf32, #tpu.memory_space<vmem>>, vector<1x16xf32>,
    %swap3A_133 = vector.shape_cast %swap3A_132 : vector<1x16xf32> to vector<16xf32>
    %swap3A_134 = vector.shape_cast %broadcast_in_dim3A_128 : vector<16xf32> to vector<1x16xf32>
    tpu.vector_store %arg10[%swap3A_130, %swap3A_131], %swap3A_134 {strides = array<i32>} : memref<3x128xf32, #tpu.memory_space<vmem>>, vector<1x16xf32>,
    %broadcast_in_dim3A_135 = arith.constant 0.000000e+00 : f32
    %broadcast_in_dim3A_136 = vector.broadcast %broadcast_in_dim3A_135 : f32 to vector<16xf32>
    %swap3A_137 = arith.constant 2 : i32
    %swap3A_138 = arith.index_cast %swap3A_137 : i32 to index
    %swap3A_139 = arith.constant 16 : index
    %swap3A_140 = tpu.vector_load %arg10[%swap3A_138, %swap3A_139] {strides = array<i32>} : memref<3x128xf32, #tpu.memory_space<vmem>>, vector<1x16xf32>,
    %swap3A_141 = vector.shape_cast %swap3A_140 : vector<1x16xf32> to vector<16xf32>
    %swap3A_142 = vector.shape_cast %broadcast_in_dim3A_136 : vector<16xf32> to vector<1x16xf32>
    tpu.vector_store %arg10[%swap3A_138, %swap3A_139], %swap3A_142 {strides = array<i32>} : memref<3x128xf32, #tpu.memory_space<vmem>>, vector<1x16xf32>,
    %broadcast_in_dim3A_143 = arith.constant 0.000000e+00 : f32
    %broadcast_in_dim3A_144 = vector.broadcast %broadcast_in_dim3A_143 : f32 to vector<16xf32>
    %swap3A_145 = arith.constant 2 : i32
    %swap3A_146 = arith.index_cast %swap3A_145 : i32 to index
    %swap3A_147 = arith.constant 32 : index
    %swap3A_148 = tpu.vector_load %arg10[%swap3A_146, %swap3A_147] {strides = array<i32>} : memref<3x128xf32, #tpu.memory_space<vmem>>, vector<1x16xf32>,
    %swap3A_149 = vector.shape_cast %swap3A_148 : vector<1x16xf32> to vector<16xf32>
    %swap3A_150 = vector.shape_cast %broadcast_in_dim3A_144 : vector<16xf32> to vector<1x16xf32>
    tpu.vector_store %arg10[%swap3A_146, %swap3A_147], %swap3A_150 {strides = array<i32>} : memref<3x128xf32, #tpu.memory_space<vmem>>, vector<1x16xf32>,
    %broadcast_in_dim3A_151 = arith.constant 0.000000e+00 : f32
    %broadcast_in_dim3A_152 = vector.broadcast %broadcast_in_dim3A_151 : f32 to vector<16xf32>
    %swap3A_153 = arith.constant 2 : i32
    %swap3A_154 = arith.index_cast %swap3A_153 : i32 to index
    %swap3A_155 = arith.constant 48 : index
    %swap3A_156 = tpu.vector_load %arg10[%swap3A_154, %swap3A_155] {strides = array<i32>} : memref<3x128xf32, #tpu.memory_space<vmem>>, vector<1x16xf32>,
    %swap3A_157 = vector.shape_cast %swap3A_156 : vector<1x16xf32> to vector<16xf32>
    %swap3A_158 = vector.shape_cast %broadcast_in_dim3A_152 : vector<16xf32> to vector<1x16xf32>
    tpu.vector_store %arg10[%swap3A_154, %swap3A_155], %swap3A_158 {strides = array<i32>} : memref<3x128xf32, #tpu.memory_space<vmem>>, vector<1x16xf32>,
    %broadcast_in_dim3A_159 = arith.constant 0.000000e+00 : f32
    %broadcast_in_dim3A_160 = vector.broadcast %broadcast_in_dim3A_159 : f32 to vector<16xf32>
    %swap3A_161 = arith.constant 2 : i32
    %swap3A_162 = arith.index_cast %swap3A_161 : i32 to index
    %swap3A_163 = arith.constant 64 : index
    %swap3A_164 = tpu.vector_load %arg10[%swap3A_162, %swap3A_163] {strides = array<i32>} : memref<3x128xf32, #tpu.memory_space<vmem>>, vector<1x16xf32>,
    %swap3A_165 = vector.shape_cast %swap3A_164 : vector<1x16xf32> to vector<16xf32>
    %swap3A_166 = vector.shape_cast %broadcast_in_dim3A_160 : vector<16xf32> to vector<1x16xf32>
    tpu.vector_store %arg10[%swap3A_162, %swap3A_163], %swap3A_166 {strides = array<i32>} : memref<3x128xf32, #tpu.memory_space<vmem>>, vector<1x16xf32>,
    %broadcast_in_dim3A_167 = arith.constant 0.000000e+00 : f32
    %broadcast_in_dim3A_168 = vector.broadcast %broadcast_in_dim3A_167 : f32 to vector<16xf32>
    %swap3A_169 = arith.constant 2 : i32
    %swap3A_170 = arith.index_cast %swap3A_169 : i32 to index
    %swap3A_171 = arith.constant 80 : index
    %swap3A_172 = tpu.vector_load %arg10[%swap3A_170, %swap3A_171] {strides = array<i32>} : memref<3x128xf32, #tpu.memory_space<vmem>>, vector<1x16xf32>,
    %swap3A_173 = vector.shape_cast %swap3A_172 : vector<1x16xf32> to vector<16xf32>
    %swap3A_174 = vector.shape_cast %broadcast_in_dim3A_168 : vector<16xf32> to vector<1x16xf32>
    tpu.vector_store %arg10[%swap3A_170, %swap3A_171], %swap3A_174 {strides = array<i32>} : memref<3x128xf32, #tpu.memory_space<vmem>>, vector<1x16xf32>,
    %broadcast_in_dim3A_175 = arith.constant 0.000000e+00 : f32
    %broadcast_in_dim3A_176 = vector.broadcast %broadcast_in_dim3A_175 : f32 to vector<16xf32>
    %swap3A_177 = arith.constant 2 : i32
    %swap3A_178 = arith.index_cast %swap3A_177 : i32 to index
    %swap3A_179 = arith.constant 96 : index
    %swap3A_180 = tpu.vector_load %arg10[%swap3A_178, %swap3A_179] {strides = array<i32>} : memref<3x128xf32, #tpu.memory_space<vmem>>, vector<1x16xf32>,
    %swap3A_181 = vector.shape_cast %swap3A_180 : vector<1x16xf32> to vector<16xf32>
    %swap3A_182 = vector.shape_cast %broadcast_in_dim3A_176 : vector<16xf32> to vector<1x16xf32>
    tpu.vector_store %arg10[%swap3A_178, %swap3A_179], %swap3A_182 {strides = array<i32>} : memref<3x128xf32, #tpu.memory_space<vmem>>, vector<1x16xf32>,
    %broadcast_in_dim3A_183 = arith.constant 0.000000e+00 : f32
    %broadcast_in_dim3A_184 = vector.broadcast %broadcast_in_dim3A_183 : f32 to vector<16xf32>
    %swap3A_185 = arith.constant 2 : i32
    %swap3A_186 = arith.index_cast %swap3A_185 : i32 to index
    %swap3A_187 = arith.constant 112 : index
    %swap3A_188 = tpu.vector_load %arg10[%swap3A_186, %swap3A_187] {strides = array<i32>} : memref<3x128xf32, #tpu.memory_space<vmem>>, vector<1x16xf32>,
    %swap3A_189 = vector.shape_cast %swap3A_188 : vector<1x16xf32> to vector<16xf32>
    %swap3A_190 = vector.shape_cast %broadcast_in_dim3A_184 : vector<16xf32> to vector<1x16xf32>
    tpu.vector_store %arg10[%swap3A_186, %swap3A_187], %swap3A_190 {strides = array<i32>} : memref<3x128xf32, #tpu.memory_space<vmem>>, vector<1x16xf32>,
    %mul3A_191 = arith.constant 3 : i32
    %mul3A_192 = arith.muli %mul3A_191, %arg1 : i32
    "tpu.region"() ({
      %run_scoped3A = tpu.sem_alloc : memref<!tpu.dma_semaphore, #tpu.memory_space<semaphore_mem>>
      %dma_start3A = arith.constant 0 : i32
      %dma_start3A_204 = tpu.memref_slice %arg11[%mul3A_192, %dma_start3A] : memref<48x128xf32, #tpu.memory_space<vmem_shared>> -> memref<3x128xf32, #tpu.memory_space<vmem_shared>>
      %dma_start3A_205 = arith.constant 0 : i32
      %dma_start3A_206 = tpu.memref_slice %arg11[%mul3A_192, %dma_start3A_205] : memref<48x128xf32, #tpu.memory_space<vmem_shared>> -> memref<3x128xf32, #tpu.memory_space<vmem_shared>>
      tpu.enqueue_dma source(%arg10 : memref<3x128xf32, #tpu.memory_space<vmem>>) target(%dma_start3A_206 : memref<3x128xf32, #tpu.memory_space<vmem_shared>>) target_semaphore(%run_scoped3A : memref<!tpu.dma_semaphore, #tpu.memory_space<semaphore_mem>>)
      %dma_wait3A = arith.constant 0 : i32
      %dma_wait3A_207 = tpu.memref_slice %arg11[%mul3A_192, %dma_wait3A] : memref<48x128xf32, #tpu.memory_space<vmem_shared>> -> memref<3x128xf32, #tpu.memory_space<vmem_shared>>
      %dma_wait3A_208 = arith.constant 0 : i32
      %dma_wait3A_209 = tpu.memref_slice %arg11[%mul3A_192, %dma_wait3A_208] : memref<48x128xf32, #tpu.memory_space<vmem_shared>> -> memref<3x128xf32, #tpu.memory_space<vmem_shared>>
      tpu.wait_dma2 semaphore(%run_scoped3A : memref<!tpu.dma_semaphore, #tpu.memory_space<semaphore_mem>>) src(%arg10 : memref<3x128xf32, #tpu.memory_space<vmem>>) dst(%dma_wait3A_209 : memref<3x128xf32, #tpu.memory_space<vmem_shared>>)
      tpu.yield
    }) : () -> ()
    %add3A_193 = arith.constant 150 : i32
    %add3A_194 = arith.addi %add3A_193, %add3A : i32
    %lt3A = arith.constant 250 : i32
    %lt3A_195 = arith.cmpi slt, %add3A_194, %lt3A : i32
    %convert_element_type3A = arith.extui %lt3A_195 : i1 to i32
    %cond3A = arith.constant 0 : i32
    %cond3A_196 = arith.cmpi ne, %convert_element_type3A, %cond3A : i32
    scf.if %cond3A_196 {
      %mul3A_204 = arith.constant 400 : i32
      %mul3A_205 = arith.muli %add3A_194, %mul3A_204 : i32
      %dma_start3A = arith.constant 0 : i32
      %dma_start3A_206 = tpu.memref_slice %arg2[%mul3A_205, %dma_start3A] : memref<100000x128xf32, #tpu.memory_space<hbm>> -> memref<400x128xf32, #tpu.memory_space<hbm>>
      %dma_start3A_207 = arith.constant 0 : i32
      %dma_start3A_208 = tpu.memref_slice %arg2[%mul3A_205, %dma_start3A_207] : memref<100000x128xf32, #tpu.memory_space<hbm>> -> memref<400x128xf32, #tpu.memory_space<hbm>>
      tpu.enqueue_dma source(%dma_start3A_208 : memref<400x128xf32, #tpu.memory_space<hbm>>) target(%arg5 : memref<400x128xf32, #tpu.memory_space<vmem>>) target_semaphore(%arg12 : memref<!tpu.dma_semaphore, #tpu.memory_space<semaphore_mem>>)
      %dma_start3A_209 = tpu.memref_slice %arg3[%mul3A_205] : memref<100000xi32, #tpu.memory_space<hbm>> -> memref<400xi32, #tpu.memory_space<hbm>>
      %dma_start3A_210 = tpu.memref_slice %arg3[%mul3A_205] : memref<100000xi32, #tpu.memory_space<hbm>> -> memref<400xi32, #tpu.memory_space<hbm>>
      tpu.enqueue_dma source(%dma_start3A_210 : memref<400xi32, #tpu.memory_space<hbm>>) target(%arg7 : memref<400xi32, #tpu.memory_space<vmem>>) target_semaphore(%arg12 : memref<!tpu.dma_semaphore, #tpu.memory_space<semaphore_mem>>)
    } else {
    }
    %scan3A = arith.constant 0 : i32
    %scan3A_197 = arith.constant 0 : i32
    %scan3A_198 = arith.constant 2 : i32
    %scan3A_199 = arith.addi %scan3A_197, %scan3A_198 : i32
    %scan3A_200 = arith.constant 1 : i32
    scf.for %scan3A_204 = %scan3A_197 to %scan3A_199 step %scan3A_200  : i32 {
      %mul3A_205 = arith.constant 2 : i32
      %mul3A_206 = arith.muli %mul3A_205, %scan3A_204 : i32
      %add3A_207 = arith.constant 1 : i32
      %add3A_208 = arith.addi %mul3A_206, %add3A_207 : i32
      %mul3A_209 = arith.constant 32 : i32
      %mul3A_210 = arith.muli %add3A_208, %mul3A_209 : i32
      %add3A_211 = arith.constant 150 : i32
      %add3A_212 = arith.addi %add3A_211, %mul3A_210 : i32
      %add3A_213 = arith.addi %add3A_212, %add3A : i32
      %lt3A_214 = arith.constant 250 : i32
      %lt3A_215 = arith.cmpi slt, %add3A_213, %lt3A_214 : i32
      %convert_element_type3A_216 = arith.extui %lt3A_215 : i1 to i32
      %cond3A_217 = arith.constant 0 : i32
      %cond3A_218 = arith.cmpi ne, %convert_element_type3A_216, %cond3A_217 : i32
      scf.if %cond3A_218 {
        %mul3A_253 = arith.constant 400 : i32
        %mul3A_254 = arith.muli %add3A_213, %mul3A_253 : i32
        %dma_start3A = arith.constant 0 : i32
        %dma_start3A_255 = tpu.memref_slice %arg2[%mul3A_254, %dma_start3A] : memref<100000x128xf32, #tpu.memory_space<hbm>> -> memref<400x128xf32, #tpu.memory_space<hbm>>
        %dma_start3A_256 = arith.constant 0 : i32
        %dma_start3A_257 = tpu.memref_slice %arg2[%mul3A_254, %dma_start3A_256] : memref<100000x128xf32, #tpu.memory_space<hbm>> -> memref<400x128xf32, #tpu.memory_space<hbm>>
        tpu.enqueue_dma source(%dma_start3A_257 : memref<400x128xf32, #tpu.memory_space<hbm>>) target(%arg6 : memref<400x128xf32, #tpu.memory_space<vmem>>) target_semaphore(%arg13 : memref<!tpu.dma_semaphore, #tpu.memory_space<semaphore_mem>>)
        %dma_start3A_258 = tpu.memref_slice %arg3[%mul3A_254] : memref<100000xi32, #tpu.memory_space<hbm>> -> memref<400xi32, #tpu.memory_space<hbm>>
        %dma_start3A_259 = tpu.memref_slice %arg3[%mul3A_254] : memref<100000xi32, #tpu.memory_space<hbm>> -> memref<400xi32, #tpu.memory_space<hbm>>
        tpu.enqueue_dma source(%dma_start3A_259 : memref<400xi32, #tpu.memory_space<hbm>>) target(%arg8 : memref<400xi32, #tpu.memory_space<vmem>>) target_semaphore(%arg13 : memref<!tpu.dma_semaphore, #tpu.memory_space<semaphore_mem>>)
      } else {
      }
      %mul3A_219 = arith.constant 32 : i32
      %mul3A_220 = arith.muli %mul3A_206, %mul3A_219 : i32
      %add3A_221 = arith.constant 150 : i32
      %add3A_222 = arith.addi %add3A_221, %mul3A_220 : i32
      %add3A_223 = arith.addi %add3A_222, %add3A : i32
      %lt3A_224 = arith.constant 250 : i32
      %lt3A_225 = arith.cmpi slt, %add3A_223, %lt3A_224 : i32
      %convert_element_type3A_226 = arith.extui %lt3A_225 : i1 to i32
      %cond3A_227 = arith.constant 0 : i32
      %cond3A_228 = arith.cmpi ne, %convert_element_type3A_226, %cond3A_227 : i32
      scf.if %cond3A_228 {
        %dma_wait3A = arith.constant 0 : i32
        %dma_wait3A_253 = arith.constant 0 : i32
        %dma_wait3A_254 = tpu.memref_slice %arg2[%dma_wait3A, %dma_wait3A_253] : memref<100000x128xf32, #tpu.memory_space<hbm>> -> memref<400x128xf32, #tpu.memory_space<hbm>>
        %dma_wait3A_255 = arith.constant 0 : i32
        %dma_wait3A_256 = arith.constant 0 : i32
        %dma_wait3A_257 = tpu.memref_slice %arg2[%dma_wait3A_255, %dma_wait3A_256] : memref<100000x128xf32, #tpu.memory_space<hbm>> -> memref<400x128xf32, #tpu.memory_space<hbm>>
        tpu.wait_dma2 semaphore(%arg12 : memref<!tpu.dma_semaphore, #tpu.memory_space<semaphore_mem>>) src(%dma_wait3A_257 : memref<400x128xf32, #tpu.memory_space<hbm>>) dst(%arg5 : memref<400x128xf32, #tpu.memory_space<vmem>>)
        %dma_wait3A_258 = arith.constant 0 : i32
        %dma_wait3A_259 = tpu.memref_slice %arg3[%dma_wait3A_258] : memref<100000xi32, #tpu.memory_space<hbm>> -> memref<400xi32, #tpu.memory_space<hbm>>
        %dma_wait3A_260 = arith.constant 0 : i32
        %dma_wait3A_261 = tpu.memref_slice %arg3[%dma_wait3A_260] : memref<100000xi32, #tpu.memory_space<hbm>> -> memref<400xi32, #tpu.memory_space<hbm>>
        tpu.wait_dma2 semaphore(%arg12 : memref<!tpu.dma_semaphore, #tpu.memory_space<semaphore_mem>>) src(%dma_wait3A_261 : memref<400xi32, #tpu.memory_space<hbm>>) dst(%arg7 : memref<400xi32, #tpu.memory_space<vmem>>)
        %mul3A_262 = arith.constant 3 : i32
        %mul3A_263 = arith.muli %mul3A_262, %arg1 : i32
        %get3A = arith.constant 0 : index
        %get3A_264 = tpu.vector_load %arg7[%get3A] {strides = array<i32>} : memref<400xi32, #tpu.memory_space<vmem>>, vector<16xi32>,
        %get3A_265 = vector.shape_cast %get3A_264 : vector<16xi32> to vector<16xi32>
        %add3A_266 = vector.broadcast %mul3A_263 : i32 to vector<16xi32>
        %add3A_267 = arith.addi %get3A_265, %add3A_266 : vector<16xi32>
        %swap3A_268 = arith.constant 0 : i32
        %swap3A_269 = arith.index_cast %swap3A_268 : i32 to index
        %swap3A_270 = arith.constant 0 : index
        %swap3A_271 = tpu.vector_load %arg9[%swap3A_269, %swap3A_270] {strides = array<i32>} : memref<5x80xi32, #tpu.memory_space<vmem>>, vector<1x16xi32>,
        %swap3A_272 = vector.shape_cast %swap3A_271 : vector<1x16xi32> to vector<16xi32>
        %swap3A_273 = vector.shape_cast %add3A_267 : vector<16xi32> to vector<1x16xi32>
        tpu.vector_store %arg9[%swap3A_269, %swap3A_270], %swap3A_273 {strides = array<i32>} : memref<5x80xi32, #tpu.memory_space<vmem>>, vector<1x16xi32>,
        %get3A_274 = arith.constant 16 : index
        %get3A_275 = tpu.vector_load %arg7[%get3A_274] {strides = array<i32>} : memref<400xi32, #tpu.memory_space<vmem>>, vector<16xi32>,
        %get3A_276 = vector.shape_cast %get3A_275 : vector<16xi32> to vector<16xi32>
        %add3A_277 = vector.broadcast %mul3A_263 : i32 to vector<16xi32>
        %add3A_278 = arith.addi %get3A_276, %add3A_277 : vector<16xi32>
        %swap3A_279 = arith.constant 0 : i32
        %swap3A_280 = arith.index_cast %swap3A_279 : i32 to index
        %swap3A_281 = arith.constant 16 : index
        %swap3A_282 = tpu.vector_load %arg9[%swap3A_280, %swap3A_281] {strides = array<i32>} : memref<5x80xi32, #tpu.memory_space<vmem>>, vector<1x16xi32>,
        %swap3A_283 = vector.shape_cast %swap3A_282 : vector<1x16xi32> to vector<16xi32>
        %swap3A_284 = vector.shape_cast %add3A_278 : vector<16xi32> to vector<1x16xi32>
        tpu.vector_store %arg9[%swap3A_280, %swap3A_281], %swap3A_284 {strides = array<i32>} : memref<5x80xi32, #tpu.memory_space<vmem>>, vector<1x16xi32>,
        %get3A_285 = arith.constant 32 : index
        %get3A_286 = tpu.vector_load %arg7[%get3A_285] {strides = array<i32>} : memref<400xi32, #tpu.memory_space<vmem>>, vector<16xi32>,
        %get3A_287 = vector.shape_cast %get3A_286 : vector<16xi32> to vector<16xi32>
        %add3A_288 = vector.broadcast %mul3A_263 : i32 to vector<16xi32>
        %add3A_289 = arith.addi %get3A_287, %add3A_288 : vector<16xi32>
        %swap3A_290 = arith.constant 0 : i32
        %swap3A_291 = arith.index_cast %swap3A_290 : i32 to index
        %swap3A_292 = arith.constant 32 : index
        %swap3A_293 = tpu.vector_load %arg9[%swap3A_291, %swap3A_292] {strides = array<i32>} : memref<5x80xi32, #tpu.memory_space<vmem>>, vector<1x16xi32>,
        %swap3A_294 = vector.shape_cast %swap3A_293 : vector<1x16xi32> to vector<16xi32>
        %swap3A_295 = vector.shape_cast %add3A_289 : vector<16xi32> to vector<1x16xi32>
        tpu.vector_store %arg9[%swap3A_291, %swap3A_292], %swap3A_295 {strides = array<i32>} : memref<5x80xi32, #tpu.memory_space<vmem>>, vector<1x16xi32>,
        %get3A_296 = arith.constant 48 : index
        %get3A_297 = tpu.vector_load %arg7[%get3A_296] {strides = array<i32>} : memref<400xi32, #tpu.memory_space<vmem>>, vector<16xi32>,
        %get3A_298 = vector.shape_cast %get3A_297 : vector<16xi32> to vector<16xi32>
        %add3A_299 = vector.broadcast %mul3A_263 : i32 to vector<16xi32>
        %add3A_300 = arith.addi %get3A_298, %add3A_299 : vector<16xi32>
        %swap3A_301 = arith.constant 0 : i32
        %swap3A_302 = arith.index_cast %swap3A_301 : i32 to index
        %swap3A_303 = arith.constant 48 : index
        %swap3A_304 = tpu.vector_load %arg9[%swap3A_302, %swap3A_303] {strides = array<i32>} : memref<5x80xi32, #tpu.memory_space<vmem>>, vector<1x16xi32>,
        %swap3A_305 = vector.shape_cast %swap3A_304 : vector<1x16xi32> to vector<16xi32>
        %swap3A_306 = vector.shape_cast %add3A_300 : vector<16xi32> to vector<1x16xi32>
        tpu.vector_store %arg9[%swap3A_302, %swap3A_303], %swap3A_306 {strides = array<i32>} : memref<5x80xi32, #tpu.memory_space<vmem>>, vector<1x16xi32>,
        %get3A_307 = arith.constant 64 : index
        %get3A_308 = tpu.vector_load %arg7[%get3A_307] {strides = array<i32>} : memref<400xi32, #tpu.memory_space<vmem>>, vector<16xi32>,
        %get3A_309 = vector.shape_cast %get3A_308 : vector<16xi32> to vector<16xi32>
        %add3A_310 = vector.broadcast %mul3A_263 : i32 to vector<16xi32>
        %add3A_311 = arith.addi %get3A_309, %add3A_310 : vector<16xi32>
        %swap3A_312 = arith.constant 0 : i32
        %swap3A_313 = arith.index_cast %swap3A_312 : i32 to index
        %swap3A_314 = arith.constant 64 : index
        %swap3A_315 = tpu.vector_load %arg9[%swap3A_313, %swap3A_314] {strides = array<i32>} : memref<5x80xi32, #tpu.memory_space<vmem>>, vector<1x16xi32>,
        %swap3A_316 = vector.shape_cast %swap3A_315 : vector<1x16xi32> to vector<16xi32>
        %swap3A_317 = vector.shape_cast %add3A_311 : vector<16xi32> to vector<1x16xi32>
        tpu.vector_store %arg9[%swap3A_313, %swap3A_314], %swap3A_317 {strides = array<i32>} : memref<5x80xi32, #tpu.memory_space<vmem>>, vector<1x16xi32>,
        %get3A_318 = arith.constant 80 : index
        %get3A_319 = tpu.vector_load %arg7[%get3A_318] {strides = array<i32>} : memref<400xi32, #tpu.memory_space<vmem>>, vector<16xi32>,
        %get3A_320 = vector.shape_cast %get3A_319 : vector<16xi32> to vector<16xi32>
        %add3A_321 = vector.broadcast %mul3A_263 : i32 to vector<16xi32>
        %add3A_322 = arith.addi %get3A_320, %add3A_321 : vector<16xi32>
        %swap3A_323 = arith.constant 1 : i32
        %swap3A_324 = arith.index_cast %swap3A_323 : i32 to index
        %swap3A_325 = arith.constant 0 : index
        %swap3A_326 = tpu.vector_load %arg9[%swap3A_324, %swap3A_325] {strides = array<i32>} : memref<5x80xi32, #tpu.memory_space<vmem>>, vector<1x16xi32>,
        %swap3A_327 = vector.shape_cast %swap3A_326 : vector<1x16xi32> to vector<16xi32>
        %swap3A_328 = vector.shape_cast %add3A_322 : vector<16xi32> to vector<1x16xi32>
        tpu.vector_store %arg9[%swap3A_324, %swap3A_325], %swap3A_328 {strides = array<i32>} : memref<5x80xi32, #tpu.memory_space<vmem>>, vector<1x16xi32>,
        %get3A_329 = arith.constant 96 : index
        %get3A_330 = tpu.vector_load %arg7[%get3A_329] {strides = array<i32>} : memref<400xi32, #tpu.memory_space<vmem>>, vector<16xi32>,
        %get3A_331 = vector.shape_cast %get3A_330 : vector<16xi32> to vector<16xi32>
        %add3A_332 = vector.broadcast %mul3A_263 : i32 to vector<16xi32>
        %add3A_333 = arith.addi %get3A_331, %add3A_332 : vector<16xi32>
        %swap3A_334 = arith.constant 1 : i32
        %swap3A_335 = arith.index_cast %swap3A_334 : i32 to index
        %swap3A_336 = arith.constant 16 : index
        %swap3A_337 = tpu.vector_load %arg9[%swap3A_335, %swap3A_336] {strides = array<i32>} : memref<5x80xi32, #tpu.memory_space<vmem>>, vector<1x16xi32>,
        %swap3A_338 = vector.shape_cast %swap3A_337 : vector<1x16xi32> to vector<16xi32>
        %swap3A_339 = vector.shape_cast %add3A_333 : vector<16xi32> to vector<1x16xi32>
        tpu.vector_store %arg9[%swap3A_335, %swap3A_336], %swap3A_339 {strides = array<i32>} : memref<5x80xi32, #tpu.memory_space<vmem>>, vector<1x16xi32>,
        %get3A_340 = arith.constant 112 : index
        %get3A_341 = tpu.vector_load %arg7[%get3A_340] {strides = array<i32>} : memref<400xi32, #tpu.memory_space<vmem>>, vector<16xi32>,
        %get3A_342 = vector.shape_cast %get3A_341 : vector<16xi32> to vector<16xi32>
        %add3A_343 = vector.broadcast %mul3A_263 : i32 to vector<16xi32>
        %add3A_344 = arith.addi %get3A_342, %add3A_343 : vector<16xi32>
        %swap3A_345 = arith.constant 1 : i32
        %swap3A_346 = arith.index_cast %swap3A_345 : i32 to index
        %swap3A_347 = arith.constant 32 : index
        %swap3A_348 = tpu.vector_load %arg9[%swap3A_346, %swap3A_347] {strides = array<i32>} : memref<5x80xi32, #tpu.memory_space<vmem>>, vector<1x16xi32>,
        %swap3A_349 = vector.shape_cast %swap3A_348 : vector<1x16xi32> to vector<16xi32>
        %swap3A_350 = vector.shape_cast %add3A_344 : vector<16xi32> to vector<1x16xi32>
        tpu.vector_store %arg9[%swap3A_346, %swap3A_347], %swap3A_350 {strides = array<i32>} : memref<5x80xi32, #tpu.memory_space<vmem>>, vector<1x16xi32>,
        %get3A_351 = arith.constant 128 : index
        %get3A_352 = tpu.vector_load %arg7[%get3A_351] {strides = array<i32>} : memref<400xi32, #tpu.memory_space<vmem>>, vector<16xi32>,
        %get3A_353 = vector.shape_cast %get3A_352 : vector<16xi32> to vector<16xi32>
        %add3A_354 = vector.broadcast %mul3A_263 : i32 to vector<16xi32>
        %add3A_355 = arith.addi %get3A_353, %add3A_354 : vector<16xi32>
        %swap3A_356 = arith.constant 1 : i32
        %swap3A_357 = arith.index_cast %swap3A_356 : i32 to index
        %swap3A_358 = arith.constant 48 : index
        %swap3A_359 = tpu.vector_load %arg9[%swap3A_357, %swap3A_358] {strides = array<i32>} : memref<5x80xi32, #tpu.memory_space<vmem>>, vector<1x16xi32>,
        %swap3A_360 = vector.shape_cast %swap3A_359 : vector<1x16xi32> to vector<16xi32>
        %swap3A_361 = vector.shape_cast %add3A_355 : vector<16xi32> to vector<1x16xi32>
        tpu.vector_store %arg9[%swap3A_357, %swap3A_358], %swap3A_361 {strides = array<i32>} : memref<5x80xi32, #tpu.memory_space<vmem>>, vector<1x16xi32>,
        %get3A_362 = arith.constant 144 : index
        %get3A_363 = tpu.vector_load %arg7[%get3A_362] {strides = array<i32>} : memref<400xi32, #tpu.memory_space<vmem>>, vector<16xi32>,
        %get3A_364 = vector.shape_cast %get3A_363 : vector<16xi32> to vector<16xi32>
        %add3A_365 = vector.broadcast %mul3A_263 : i32 to vector<16xi32>
        %add3A_366 = arith.addi %get3A_364, %add3A_365 : vector<16xi32>
        %swap3A_367 = arith.constant 1 : i32
        %swap3A_368 = arith.index_cast %swap3A_367 : i32 to index
        %swap3A_369 = arith.constant 64 : index
        %swap3A_370 = tpu.vector_load %arg9[%swap3A_368, %swap3A_369] {strides = array<i32>} : memref<5x80xi32, #tpu.memory_space<vmem>>, vector<1x16xi32>,
        %swap3A_371 = vector.shape_cast %swap3A_370 : vector<1x16xi32> to vector<16xi32>
        %swap3A_372 = vector.shape_cast %add3A_366 : vector<16xi32> to vector<1x16xi32>
        tpu.vector_store %arg9[%swap3A_368, %swap3A_369], %swap3A_372 {strides = array<i32>} : memref<5x80xi32, #tpu.memory_space<vmem>>, vector<1x16xi32>,
        %get3A_373 = arith.constant 160 : index
        %get3A_374 = tpu.vector_load %arg7[%get3A_373] {strides = array<i32>} : memref<400xi32, #tpu.memory_space<vmem>>, vector<16xi32>,
        %get3A_375 = vector.shape_cast %get3A_374 : vector<16xi32> to vector<16xi32>
        %add3A_376 = vector.broadcast %mul3A_263 : i32 to vector<16xi32>
        %add3A_377 = arith.addi %get3A_375, %add3A_376 : vector<16xi32>
        %swap3A_378 = arith.constant 2 : i32
        %swap3A_379 = arith.index_cast %swap3A_378 : i32 to index
        %swap3A_380 = arith.constant 0 : index
        %swap3A_381 = tpu.vector_load %arg9[%swap3A_379, %swap3A_380] {strides = array<i32>} : memref<5x80xi32, #tpu.memory_space<vmem>>, vector<1x16xi32>,
        %swap3A_382 = vector.shape_cast %swap3A_381 : vector<1x16xi32> to vector<16xi32>
        %swap3A_383 = vector.shape_cast %add3A_377 : vector<16xi32> to vector<1x16xi32>
        tpu.vector_store %arg9[%swap3A_379, %swap3A_380], %swap3A_383 {strides = array<i32>} : memref<5x80xi32, #tpu.memory_space<vmem>>, vector<1x16xi32>,
        %get3A_384 = arith.constant 176 : index
        %get3A_385 = tpu.vector_load %arg7[%get3A_384] {strides = array<i32>} : memref<400xi32, #tpu.memory_space<vmem>>, vector<16xi32>,
        %get3A_386 = vector.shape_cast %get3A_385 : vector<16xi32> to vector<16xi32>
        %add3A_387 = vector.broadcast %mul3A_263 : i32 to vector<16xi32>
        %add3A_388 = arith.addi %get3A_386, %add3A_387 : vector<16xi32>
        %swap3A_389 = arith.constant 2 : i32
        %swap3A_390 = arith.index_cast %swap3A_389 : i32 to index
        %swap3A_391 = arith.constant 16 : index
        %swap3A_392 = tpu.vector_load %arg9[%swap3A_390, %swap3A_391] {strides = array<i32>} : memref<5x80xi32, #tpu.memory_space<vmem>>, vector<1x16xi32>,
        %swap3A_393 = vector.shape_cast %swap3A_392 : vector<1x16xi32> to vector<16xi32>
        %swap3A_394 = vector.shape_cast %add3A_388 : vector<16xi32> to vector<1x16xi32>
        tpu.vector_store %arg9[%swap3A_390, %swap3A_391], %swap3A_394 {strides = array<i32>} : memref<5x80xi32, #tpu.memory_space<vmem>>, vector<1x16xi32>,
        %get3A_395 = arith.constant 192 : index
        %get3A_396 = tpu.vector_load %arg7[%get3A_395] {strides = array<i32>} : memref<400xi32, #tpu.memory_space<vmem>>, vector<16xi32>,
        %get3A_397 = vector.shape_cast %get3A_396 : vector<16xi32> to vector<16xi32>
        %add3A_398 = vector.broadcast %mul3A_263 : i32 to vector<16xi32>
        %add3A_399 = arith.addi %get3A_397, %add3A_398 : vector<16xi32>
        %swap3A_400 = arith.constant 2 : i32
        %swap3A_401 = arith.index_cast %swap3A_400 : i32 to index
        %swap3A_402 = arith.constant 32 : index
        %swap3A_403 = tpu.vector_load %arg9[%swap3A_401, %swap3A_402] {strides = array<i32>} : memref<5x80xi32, #tpu.memory_space<vmem>>, vector<1x16xi32>,
        %swap3A_404 = vector.shape_cast %swap3A_403 : vector<1x16xi32> to vector<16xi32>
        %swap3A_405 = vector.shape_cast %add3A_399 : vector<16xi32> to vector<1x16xi32>
        tpu.vector_store %arg9[%swap3A_401, %swap3A_402], %swap3A_405 {strides = array<i32>} : memref<5x80xi32, #tpu.memory_space<vmem>>, vector<1x16xi32>,
        %get3A_406 = arith.constant 208 : index
        %get3A_407 = tpu.vector_load %arg7[%get3A_406] {strides = array<i32>} : memref<400xi32, #tpu.memory_space<vmem>>, vector<16xi32>,
        %get3A_408 = vector.shape_cast %get3A_407 : vector<16xi32> to vector<16xi32>
        %add3A_409 = vector.broadcast %mul3A_263 : i32 to vector<16xi32>
        %add3A_410 = arith.addi %get3A_408, %add3A_409 : vector<16xi32>
        %swap3A_411 = arith.constant 2 : i32
        %swap3A_412 = arith.index_cast %swap3A_411 : i32 to index
        %swap3A_413 = arith.constant 48 : index
        %swap3A_414 = tpu.vector_load %arg9[%swap3A_412, %swap3A_413] {strides = array<i32>} : memref<5x80xi32, #tpu.memory_space<vmem>>, vector<1x16xi32>,
        %swap3A_415 = vector.shape_cast %swap3A_414 : vector<1x16xi32> to vector<16xi32>
        %swap3A_416 = vector.shape_cast %add3A_410 : vector<16xi32> to vector<1x16xi32>
        tpu.vector_store %arg9[%swap3A_412, %swap3A_413], %swap3A_416 {strides = array<i32>} : memref<5x80xi32, #tpu.memory_space<vmem>>, vector<1x16xi32>,
        %get3A_417 = arith.constant 224 : index
        %get3A_418 = tpu.vector_load %arg7[%get3A_417] {strides = array<i32>} : memref<400xi32, #tpu.memory_space<vmem>>, vector<16xi32>,
        %get3A_419 = vector.shape_cast %get3A_418 : vector<16xi32> to vector<16xi32>
        %add3A_420 = vector.broadcast %mul3A_263 : i32 to vector<16xi32>
        %add3A_421 = arith.addi %get3A_419, %add3A_420 : vector<16xi32>
        %swap3A_422 = arith.constant 2 : i32
        %swap3A_423 = arith.index_cast %swap3A_422 : i32 to index
        %swap3A_424 = arith.constant 64 : index
        %swap3A_425 = tpu.vector_load %arg9[%swap3A_423, %swap3A_424] {strides = array<i32>} : memref<5x80xi32, #tpu.memory_space<vmem>>, vector<1x16xi32>,
        %swap3A_426 = vector.shape_cast %swap3A_425 : vector<1x16xi32> to vector<16xi32>
        %swap3A_427 = vector.shape_cast %add3A_421 : vector<16xi32> to vector<1x16xi32>
        tpu.vector_store %arg9[%swap3A_423, %swap3A_424], %swap3A_427 {strides = array<i32>} : memref<5x80xi32, #tpu.memory_space<vmem>>, vector<1x16xi32>,
        %get3A_428 = arith.constant 240 : index
        %get3A_429 = tpu.vector_load %arg7[%get3A_428] {strides = array<i32>} : memref<400xi32, #tpu.memory_space<vmem>>, vector<16xi32>,
        %get3A_430 = vector.shape_cast %get3A_429 : vector<16xi32> to vector<16xi32>
        %add3A_431 = vector.broadcast %mul3A_263 : i32 to vector<16xi32>
        %add3A_432 = arith.addi %get3A_430, %add3A_431 : vector<16xi32>
        %swap3A_433 = arith.constant 3 : i32
        %swap3A_434 = arith.index_cast %swap3A_433 : i32 to index
        %swap3A_435 = arith.constant 0 : index
        %swap3A_436 = tpu.vector_load %arg9[%swap3A_434, %swap3A_435] {strides = array<i32>} : memref<5x80xi32, #tpu.memory_space<vmem>>, vector<1x16xi32>,
        %swap3A_437 = vector.shape_cast %swap3A_436 : vector<1x16xi32> to vector<16xi32>
        %swap3A_438 = vector.shape_cast %add3A_432 : vector<16xi32> to vector<1x16xi32>
        tpu.vector_store %arg9[%swap3A_434, %swap3A_435], %swap3A_438 {strides = array<i32>} : memref<5x80xi32, #tpu.memory_space<vmem>>, vector<1x16xi32>,
        %get3A_439 = arith.constant 256 : index
        %get3A_440 = tpu.vector_load %arg7[%get3A_439] {strides = array<i32>} : memref<400xi32, #tpu.memory_space<vmem>>, vector<16xi32>,
        %get3A_441 = vector.shape_cast %get3A_440 : vector<16xi32> to vector<16xi32>
        %add3A_442 = vector.broadcast %mul3A_263 : i32 to vector<16xi32>
        %add3A_443 = arith.addi %get3A_441, %add3A_442 : vector<16xi32>
        %swap3A_444 = arith.constant 3 : i32
        %swap3A_445 = arith.index_cast %swap3A_444 : i32 to index
        %swap3A_446 = arith.constant 16 : index
        %swap3A_447 = tpu.vector_load %arg9[%swap3A_445, %swap3A_446] {strides = array<i32>} : memref<5x80xi32, #tpu.memory_space<vmem>>, vector<1x16xi32>,
        %swap3A_448 = vector.shape_cast %swap3A_447 : vector<1x16xi32> to vector<16xi32>
        %swap3A_449 = vector.shape_cast %add3A_443 : vector<16xi32> to vector<1x16xi32>
        tpu.vector_store %arg9[%swap3A_445, %swap3A_446], %swap3A_449 {strides = array<i32>} : memref<5x80xi32, #tpu.memory_space<vmem>>, vector<1x16xi32>,
        %get3A_450 = arith.constant 272 : index
        %get3A_451 = tpu.vector_load %arg7[%get3A_450] {strides = array<i32>} : memref<400xi32, #tpu.memory_space<vmem>>, vector<16xi32>,
        %get3A_452 = vector.shape_cast %get3A_451 : vector<16xi32> to vector<16xi32>
        %add3A_453 = vector.broadcast %mul3A_263 : i32 to vector<16xi32>
        %add3A_454 = arith.addi %get3A_452, %add3A_453 : vector<16xi32>
        %swap3A_455 = arith.constant 3 : i32
        %swap3A_456 = arith.index_cast %swap3A_455 : i32 to index
        %swap3A_457 = arith.constant 32 : index
        %swap3A_458 = tpu.vector_load %arg9[%swap3A_456, %swap3A_457] {strides = array<i32>} : memref<5x80xi32, #tpu.memory_space<vmem>>, vector<1x16xi32>,
        %swap3A_459 = vector.shape_cast %swap3A_458 : vector<1x16xi32> to vector<16xi32>
        %swap3A_460 = vector.shape_cast %add3A_454 : vector<16xi32> to vector<1x16xi32>
        tpu.vector_store %arg9[%swap3A_456, %swap3A_457], %swap3A_460 {strides = array<i32>} : memref<5x80xi32, #tpu.memory_space<vmem>>, vector<1x16xi32>,
        %get3A_461 = arith.constant 288 : index
        %get3A_462 = tpu.vector_load %arg7[%get3A_461] {strides = array<i32>} : memref<400xi32, #tpu.memory_space<vmem>>, vector<16xi32>,
        %get3A_463 = vector.shape_cast %get3A_462 : vector<16xi32> to vector<16xi32>
        %add3A_464 = vector.broadcast %mul3A_263 : i32 to vector<16xi32>
        %add3A_465 = arith.addi %get3A_463, %add3A_464 : vector<16xi32>
        %swap3A_466 = arith.constant 3 : i32
        %swap3A_467 = arith.index_cast %swap3A_466 : i32 to index
        %swap3A_468 = arith.constant 48 : index
        %swap3A_469 = tpu.vector_load %arg9[%swap3A_467, %swap3A_468] {strides = array<i32>} : memref<5x80xi32, #tpu.memory_space<vmem>>, vector<1x16xi32>,
        %swap3A_470 = vector.shape_cast %swap3A_469 : vector<1x16xi32> to vector<16xi32>
        %swap3A_471 = vector.shape_cast %add3A_465 : vector<16xi32> to vector<1x16xi32>
        tpu.vector_store %arg9[%swap3A_467, %swap3A_468], %swap3A_471 {strides = array<i32>} : memref<5x80xi32, #tpu.memory_space<vmem>>, vector<1x16xi32>,
        %get3A_472 = arith.constant 304 : index
        %get3A_473 = tpu.vector_load %arg7[%get3A_472] {strides = array<i32>} : memref<400xi32, #tpu.memory_space<vmem>>, vector<16xi32>,
        %get3A_474 = vector.shape_cast %get3A_473 : vector<16xi32> to vector<16xi32>
        %add3A_475 = vector.broadcast %mul3A_263 : i32 to vector<16xi32>
        %add3A_476 = arith.addi %get3A_474, %add3A_475 : vector<16xi32>
        %swap3A_477 = arith.constant 3 : i32
        %swap3A_478 = arith.index_cast %swap3A_477 : i32 to index
        %swap3A_479 = arith.constant 64 : index
        %swap3A_480 = tpu.vector_load %arg9[%swap3A_478, %swap3A_479] {strides = array<i32>} : memref<5x80xi32, #tpu.memory_space<vmem>>, vector<1x16xi32>,
        %swap3A_481 = vector.shape_cast %swap3A_480 : vector<1x16xi32> to vector<16xi32>
        %swap3A_482 = vector.shape_cast %add3A_476 : vector<16xi32> to vector<1x16xi32>
        tpu.vector_store %arg9[%swap3A_478, %swap3A_479], %swap3A_482 {strides = array<i32>} : memref<5x80xi32, #tpu.memory_space<vmem>>, vector<1x16xi32>,
        %get3A_483 = arith.constant 320 : index
        %get3A_484 = tpu.vector_load %arg7[%get3A_483] {strides = array<i32>} : memref<400xi32, #tpu.memory_space<vmem>>, vector<16xi32>,
        %get3A_485 = vector.shape_cast %get3A_484 : vector<16xi32> to vector<16xi32>
        %add3A_486 = vector.broadcast %mul3A_263 : i32 to vector<16xi32>
        %add3A_487 = arith.addi %get3A_485, %add3A_486 : vector<16xi32>
        %swap3A_488 = arith.constant 4 : i32
        %swap3A_489 = arith.index_cast %swap3A_488 : i32 to index
        %swap3A_490 = arith.constant 0 : index
        %swap3A_491 = tpu.vector_load %arg9[%swap3A_489, %swap3A_490] {strides = array<i32>} : memref<5x80xi32, #tpu.memory_space<vmem>>, vector<1x16xi32>,
        %swap3A_492 = vector.shape_cast %swap3A_491 : vector<1x16xi32> to vector<16xi32>
        %swap3A_493 = vector.shape_cast %add3A_487 : vector<16xi32> to vector<1x16xi32>
        tpu.vector_store %arg9[%swap3A_489, %swap3A_490], %swap3A_493 {strides = array<i32>} : memref<5x80xi32, #tpu.memory_space<vmem>>, vector<1x16xi32>,
        %get3A_494 = arith.constant 336 : index
        %get3A_495 = tpu.vector_load %arg7[%get3A_494] {strides = array<i32>} : memref<400xi32, #tpu.memory_space<vmem>>, vector<16xi32>,
        %get3A_496 = vector.shape_cast %get3A_495 : vector<16xi32> to vector<16xi32>
        %add3A_497 = vector.broadcast %mul3A_263 : i32 to vector<16xi32>
        %add3A_498 = arith.addi %get3A_496, %add3A_497 : vector<16xi32>
        %swap3A_499 = arith.constant 4 : i32
        %swap3A_500 = arith.index_cast %swap3A_499 : i32 to index
        %swap3A_501 = arith.constant 16 : index
        %swap3A_502 = tpu.vector_load %arg9[%swap3A_500, %swap3A_501] {strides = array<i32>} : memref<5x80xi32, #tpu.memory_space<vmem>>, vector<1x16xi32>,
        %swap3A_503 = vector.shape_cast %swap3A_502 : vector<1x16xi32> to vector<16xi32>
        %swap3A_504 = vector.shape_cast %add3A_498 : vector<16xi32> to vector<1x16xi32>
        tpu.vector_store %arg9[%swap3A_500, %swap3A_501], %swap3A_504 {strides = array<i32>} : memref<5x80xi32, #tpu.memory_space<vmem>>, vector<1x16xi32>,
        %get3A_505 = arith.constant 352 : index
        %get3A_506 = tpu.vector_load %arg7[%get3A_505] {strides = array<i32>} : memref<400xi32, #tpu.memory_space<vmem>>, vector<16xi32>,
        %get3A_507 = vector.shape_cast %get3A_506 : vector<16xi32> to vector<16xi32>
        %add3A_508 = vector.broadcast %mul3A_263 : i32 to vector<16xi32>
        %add3A_509 = arith.addi %get3A_507, %add3A_508 : vector<16xi32>
        %swap3A_510 = arith.constant 4 : i32
        %swap3A_511 = arith.index_cast %swap3A_510 : i32 to index
        %swap3A_512 = arith.constant 32 : index
        %swap3A_513 = tpu.vector_load %arg9[%swap3A_511, %swap3A_512] {strides = array<i32>} : memref<5x80xi32, #tpu.memory_space<vmem>>, vector<1x16xi32>,
        %swap3A_514 = vector.shape_cast %swap3A_513 : vector<1x16xi32> to vector<16xi32>
        %swap3A_515 = vector.shape_cast %add3A_509 : vector<16xi32> to vector<1x16xi32>
        tpu.vector_store %arg9[%swap3A_511, %swap3A_512], %swap3A_515 {strides = array<i32>} : memref<5x80xi32, #tpu.memory_space<vmem>>, vector<1x16xi32>,
        %get3A_516 = arith.constant 368 : index
        %get3A_517 = tpu.vector_load %arg7[%get3A_516] {strides = array<i32>} : memref<400xi32, #tpu.memory_space<vmem>>, vector<16xi32>,
        %get3A_518 = vector.shape_cast %get3A_517 : vector<16xi32> to vector<16xi32>
        %add3A_519 = vector.broadcast %mul3A_263 : i32 to vector<16xi32>
        %add3A_520 = arith.addi %get3A_518, %add3A_519 : vector<16xi32>
        %swap3A_521 = arith.constant 4 : i32
        %swap3A_522 = arith.index_cast %swap3A_521 : i32 to index
        %swap3A_523 = arith.constant 48 : index
        %swap3A_524 = tpu.vector_load %arg9[%swap3A_522, %swap3A_523] {strides = array<i32>} : memref<5x80xi32, #tpu.memory_space<vmem>>, vector<1x16xi32>,
        %swap3A_525 = vector.shape_cast %swap3A_524 : vector<1x16xi32> to vector<16xi32>
        %swap3A_526 = vector.shape_cast %add3A_520 : vector<16xi32> to vector<1x16xi32>
        tpu.vector_store %arg9[%swap3A_522, %swap3A_523], %swap3A_526 {strides = array<i32>} : memref<5x80xi32, #tpu.memory_space<vmem>>, vector<1x16xi32>,
        %get3A_527 = arith.constant 384 : index
        %get3A_528 = tpu.vector_load %arg7[%get3A_527] {strides = array<i32>} : memref<400xi32, #tpu.memory_space<vmem>>, vector<16xi32>,
        %get3A_529 = vector.shape_cast %get3A_528 : vector<16xi32> to vector<16xi32>
        %add3A_530 = vector.broadcast %mul3A_263 : i32 to vector<16xi32>
        %add3A_531 = arith.addi %get3A_529, %add3A_530 : vector<16xi32>
        %swap3A_532 = arith.constant 4 : i32
        %swap3A_533 = arith.index_cast %swap3A_532 : i32 to index
        %swap3A_534 = arith.constant 64 : index
        %swap3A_535 = tpu.vector_load %arg9[%swap3A_533, %swap3A_534] {strides = array<i32>} : memref<5x80xi32, #tpu.memory_space<vmem>>, vector<1x16xi32>,
        %swap3A_536 = vector.shape_cast %swap3A_535 : vector<1x16xi32> to vector<16xi32>
        %swap3A_537 = vector.shape_cast %add3A_531 : vector<16xi32> to vector<1x16xi32>
        tpu.vector_store %arg9[%swap3A_533, %swap3A_534], %swap3A_537 {strides = array<i32>} : memref<5x80xi32, #tpu.memory_space<vmem>>, vector<1x16xi32>,
        %dma_start3A = arith.constant 0 : i32
        %dma_start3A_538 = arith.constant 0 : i32
        %dma_start3A_539 = arith.constant 0 : i32
        %dma_start3A_540 = tpu.memref_slice %arg5[%dma_start3A_538, %dma_start3A_539] : memref<400x128xf32, #tpu.memory_space<vmem>> -> memref<80x128xf32, #tpu.memory_space<vmem>>
        %dma_start3A_541 = arith.constant 0 : i32
        %dma_start3A_542 = tpu.memref_slice %arg9[%dma_start3A, %dma_start3A_541] : memref<5x80xi32, #tpu.memory_space<vmem>> -> memref<1x80xi32, #tpu.memory_space<vmem>>
        %dma_start3A_543 = tpu.memref_squeeze %dma_start3A_542 : memref<1x80xi32, #tpu.memory_space<vmem>> -> memref<80xi32, #tpu.memory_space<vmem>>
        %dma_start3A_544 = arith.constant 0 : i32
        %dma_start3A_545 = arith.constant 0 : i32
        %dma_start3A_546 = tpu.memref_slice %arg11[%dma_start3A_544, %dma_start3A_545] : memref<48x128xf32, #tpu.memory_space<vmem_shared>> -> memref<48x128xf32, #tpu.memory_space<vmem_shared>>
        tpu.enqueue_indirect_dma source(%dma_start3A_540 : memref<80x128xf32, #tpu.memory_space<vmem>>) target(%dma_start3A_546 : memref<48x128xf32, #tpu.memory_space<vmem_shared>>) offsets(%dma_start3A_543 : memref<80xi32, #tpu.memory_space<vmem>>) semaphore(%arg14 : memref<!tpu.dma_semaphore, #tpu.memory_space<semaphore_mem>>) {add = true}
        %dma_start3A_547 = arith.constant 1 : i32
        %dma_start3A_548 = arith.constant 80 : i32
        %dma_start3A_549 = arith.constant 0 : i32
        %dma_start3A_550 = tpu.memref_slice %arg5[%dma_start3A_548, %dma_start3A_549] : memref<400x128xf32, #tpu.memory_space<vmem>> -> memref<80x128xf32, #tpu.memory_space<vmem>>
        %dma_start3A_551 = arith.constant 0 : i32
        %dma_start3A_552 = tpu.memref_slice %arg9[%dma_start3A_547, %dma_start3A_551] : memref<5x80xi32, #tpu.memory_space<vmem>> -> memref<1x80xi32, #tpu.memory_space<vmem>>
        %dma_start3A_553 = tpu.memref_squeeze %dma_start3A_552 : memref<1x80xi32, #tpu.memory_space<vmem>> -> memref<80xi32, #tpu.memory_space<vmem>>
        %dma_start3A_554 = arith.constant 0 : i32
        %dma_start3A_555 = arith.constant 0 : i32
        %dma_start3A_556 = tpu.memref_slice %arg11[%dma_start3A_554, %dma_start3A_555] : memref<48x128xf32, #tpu.memory_space<vmem_shared>> -> memref<48x128xf32, #tpu.memory_space<vmem_shared>>
        tpu.enqueue_indirect_dma source(%dma_start3A_550 : memref<80x128xf32, #tpu.memory_space<vmem>>) target(%dma_start3A_556 : memref<48x128xf32, #tpu.memory_space<vmem_shared>>) offsets(%dma_start3A_553 : memref<80xi32, #tpu.memory_space<vmem>>) semaphore(%arg14 : memref<!tpu.dma_semaphore, #tpu.memory_space<semaphore_mem>>) {add = true}
        %dma_start3A_557 = arith.constant 2 : i32
        %dma_start3A_558 = arith.constant 160 : i32
        %dma_start3A_559 = arith.constant 0 : i32
        %dma_start3A_560 = tpu.memref_slice %arg5[%dma_start3A_558, %dma_start3A_559] : memref<400x128xf32, #tpu.memory_space<vmem>> -> memref<80x128xf32, #tpu.memory_space<vmem>>
        %dma_start3A_561 = arith.constant 0 : i32
        %dma_start3A_562 = tpu.memref_slice %arg9[%dma_start3A_557, %dma_start3A_561] : memref<5x80xi32, #tpu.memory_space<vmem>> -> memref<1x80xi32, #tpu.memory_space<vmem>>
        %dma_start3A_563 = tpu.memref_squeeze %dma_start3A_562 : memref<1x80xi32, #tpu.memory_space<vmem>> -> memref<80xi32, #tpu.memory_space<vmem>>
        %dma_start3A_564 = arith.constant 0 : i32
        %dma_start3A_565 = arith.constant 0 : i32
        %dma_start3A_566 = tpu.memref_slice %arg11[%dma_start3A_564, %dma_start3A_565] : memref<48x128xf32, #tpu.memory_space<vmem_shared>> -> memref<48x128xf32, #tpu.memory_space<vmem_shared>>
        tpu.enqueue_indirect_dma source(%dma_start3A_560 : memref<80x128xf32, #tpu.memory_space<vmem>>) target(%dma_start3A_566 : memref<48x128xf32, #tpu.memory_space<vmem_shared>>) offsets(%dma_start3A_563 : memref<80xi32, #tpu.memory_space<vmem>>) semaphore(%arg14 : memref<!tpu.dma_semaphore, #tpu.memory_space<semaphore_mem>>) {add = true}
        %dma_start3A_567 = arith.constant 3 : i32
        %dma_start3A_568 = arith.constant 240 : i32
        %dma_start3A_569 = arith.constant 0 : i32
        %dma_start3A_570 = tpu.memref_slice %arg5[%dma_start3A_568, %dma_start3A_569] : memref<400x128xf32, #tpu.memory_space<vmem>> -> memref<80x128xf32, #tpu.memory_space<vmem>>
        %dma_start3A_571 = arith.constant 0 : i32
        %dma_start3A_572 = tpu.memref_slice %arg9[%dma_start3A_567, %dma_start3A_571] : memref<5x80xi32, #tpu.memory_space<vmem>> -> memref<1x80xi32, #tpu.memory_space<vmem>>
        %dma_start3A_573 = tpu.memref_squeeze %dma_start3A_572 : memref<1x80xi32, #tpu.memory_space<vmem>> -> memref<80xi32, #tpu.memory_space<vmem>>
        %dma_start3A_574 = arith.constant 0 : i32
        %dma_start3A_575 = arith.constant 0 : i32
        %dma_start3A_576 = tpu.memref_slice %arg11[%dma_start3A_574, %dma_start3A_575] : memref<48x128xf32, #tpu.memory_space<vmem_shared>> -> memref<48x128xf32, #tpu.memory_space<vmem_shared>>
        tpu.enqueue_indirect_dma source(%dma_start3A_570 : memref<80x128xf32, #tpu.memory_space<vmem>>) target(%dma_start3A_576 : memref<48x128xf32, #tpu.memory_space<vmem_shared>>) offsets(%dma_start3A_573 : memref<80xi32, #tpu.memory_space<vmem>>) semaphore(%arg14 : memref<!tpu.dma_semaphore, #tpu.memory_space<semaphore_mem>>) {add = true}
        %dma_start3A_577 = arith.constant 4 : i32
        %dma_start3A_578 = arith.constant 320 : i32
        %dma_start3A_579 = arith.constant 0 : i32
        %dma_start3A_580 = tpu.memref_slice %arg5[%dma_start3A_578, %dma_start3A_579] : memref<400x128xf32, #tpu.memory_space<vmem>> -> memref<80x128xf32, #tpu.memory_space<vmem>>
        %dma_start3A_581 = arith.constant 0 : i32
        %dma_start3A_582 = tpu.memref_slice %arg9[%dma_start3A_577, %dma_start3A_581] : memref<5x80xi32, #tpu.memory_space<vmem>> -> memref<1x80xi32, #tpu.memory_space<vmem>>
        %dma_start3A_583 = tpu.memref_squeeze %dma_start3A_582 : memref<1x80xi32, #tpu.memory_space<vmem>> -> memref<80xi32, #tpu.memory_space<vmem>>
        %dma_start3A_584 = arith.constant 0 : i32
        %dma_start3A_585 = arith.constant 0 : i32
        %dma_start3A_586 = tpu.memref_slice %arg11[%dma_start3A_584, %dma_start3A_585] : memref<48x128xf32, #tpu.memory_space<vmem_shared>> -> memref<48x128xf32, #tpu.memory_space<vmem_shared>>
        tpu.enqueue_indirect_dma source(%dma_start3A_580 : memref<80x128xf32, #tpu.memory_space<vmem>>) target(%dma_start3A_586 : memref<48x128xf32, #tpu.memory_space<vmem_shared>>) offsets(%dma_start3A_583 : memref<80xi32, #tpu.memory_space<vmem>>) semaphore(%arg14 : memref<!tpu.dma_semaphore, #tpu.memory_space<semaphore_mem>>) {add = true}
        %dma_wait3A_587 = arith.constant 0 : i32
        %dma_wait3A_588 = arith.constant 0 : i32
        %dma_wait3A_589 = arith.constant 0 : i32
        %dma_wait3A_590 = tpu.memref_slice %arg5[%dma_wait3A_588, %dma_wait3A_589] : memref<400x128xf32, #tpu.memory_space<vmem>> -> memref<80x128xf32, #tpu.memory_space<vmem>>
        %dma_wait3A_591 = arith.constant 0 : i32
        %dma_wait3A_592 = tpu.memref_slice %arg9[%dma_wait3A_587, %dma_wait3A_591] : memref<5x80xi32, #tpu.memory_space<vmem>> -> memref<1x80xi32, #tpu.memory_space<vmem>>
        %dma_wait3A_593 = tpu.memref_squeeze %dma_wait3A_592 : memref<1x80xi32, #tpu.memory_space<vmem>> -> memref<80xi32, #tpu.memory_space<vmem>>
        %dma_wait3A_594 = arith.constant 0 : i32
        %dma_wait3A_595 = arith.constant 0 : i32
        %dma_wait3A_596 = tpu.memref_slice %arg11[%dma_wait3A_594, %dma_wait3A_595] : memref<48x128xf32, #tpu.memory_space<vmem_shared>> -> memref<48x128xf32, #tpu.memory_space<vmem_shared>>
        tpu.wait_indirect_dma semaphore(%arg14 : memref<!tpu.dma_semaphore, #tpu.memory_space<semaphore_mem>>) src(%dma_wait3A_590 : memref<80x128xf32, #tpu.memory_space<vmem>>) dst(%dma_wait3A_596 : memref<48x128xf32, #tpu.memory_space<vmem_shared>>)
        %dma_wait3A_597 = arith.constant 1 : i32
        %dma_wait3A_598 = arith.constant 80 : i32
        %dma_wait3A_599 = arith.constant 0 : i32
        %dma_wait3A_600 = tpu.memref_slice %arg5[%dma_wait3A_598, %dma_wait3A_599] : memref<400x128xf32, #tpu.memory_space<vmem>> -> memref<80x128xf32, #tpu.memory_space<vmem>>
        %dma_wait3A_601 = arith.constant 0 : i32
        %dma_wait3A_602 = tpu.memref_slice %arg9[%dma_wait3A_597, %dma_wait3A_601] : memref<5x80xi32, #tpu.memory_space<vmem>> -> memref<1x80xi32, #tpu.memory_space<vmem>>
        %dma_wait3A_603 = tpu.memref_squeeze %dma_wait3A_602 : memref<1x80xi32, #tpu.memory_space<vmem>> -> memref<80xi32, #tpu.memory_space<vmem>>
        %dma_wait3A_604 = arith.constant 0 : i32
        %dma_wait3A_605 = arith.constant 0 : i32
        %dma_wait3A_606 = tpu.memref_slice %arg11[%dma_wait3A_604, %dma_wait3A_605] : memref<48x128xf32, #tpu.memory_space<vmem_shared>> -> memref<48x128xf32, #tpu.memory_space<vmem_shared>>
        tpu.wait_indirect_dma semaphore(%arg14 : memref<!tpu.dma_semaphore, #tpu.memory_space<semaphore_mem>>) src(%dma_wait3A_600 : memref<80x128xf32, #tpu.memory_space<vmem>>) dst(%dma_wait3A_606 : memref<48x128xf32, #tpu.memory_space<vmem_shared>>)
        %dma_wait3A_607 = arith.constant 2 : i32
        %dma_wait3A_608 = arith.constant 160 : i32
        %dma_wait3A_609 = arith.constant 0 : i32
        %dma_wait3A_610 = tpu.memref_slice %arg5[%dma_wait3A_608, %dma_wait3A_609] : memref<400x128xf32, #tpu.memory_space<vmem>> -> memref<80x128xf32, #tpu.memory_space<vmem>>
        %dma_wait3A_611 = arith.constant 0 : i32
        %dma_wait3A_612 = tpu.memref_slice %arg9[%dma_wait3A_607, %dma_wait3A_611] : memref<5x80xi32, #tpu.memory_space<vmem>> -> memref<1x80xi32, #tpu.memory_space<vmem>>
        %dma_wait3A_613 = tpu.memref_squeeze %dma_wait3A_612 : memref<1x80xi32, #tpu.memory_space<vmem>> -> memref<80xi32, #tpu.memory_space<vmem>>
        %dma_wait3A_614 = arith.constant 0 : i32
        %dma_wait3A_615 = arith.constant 0 : i32
        %dma_wait3A_616 = tpu.memref_slice %arg11[%dma_wait3A_614, %dma_wait3A_615] : memref<48x128xf32, #tpu.memory_space<vmem_shared>> -> memref<48x128xf32, #tpu.memory_space<vmem_shared>>
        tpu.wait_indirect_dma semaphore(%arg14 : memref<!tpu.dma_semaphore, #tpu.memory_space<semaphore_mem>>) src(%dma_wait3A_610 : memref<80x128xf32, #tpu.memory_space<vmem>>) dst(%dma_wait3A_616 : memref<48x128xf32, #tpu.memory_space<vmem_shared>>)
        %dma_wait3A_617 = arith.constant 3 : i32
        %dma_wait3A_618 = arith.constant 240 : i32
        %dma_wait3A_619 = arith.constant 0 : i32
        %dma_wait3A_620 = tpu.memref_slice %arg5[%dma_wait3A_618, %dma_wait3A_619] : memref<400x128xf32, #tpu.memory_space<vmem>> -> memref<80x128xf32, #tpu.memory_space<vmem>>
        %dma_wait3A_621 = arith.constant 0 : i32
        %dma_wait3A_622 = tpu.memref_slice %arg9[%dma_wait3A_617, %dma_wait3A_621] : memref<5x80xi32, #tpu.memory_space<vmem>> -> memref<1x80xi32, #tpu.memory_space<vmem>>
        %dma_wait3A_623 = tpu.memref_squeeze %dma_wait3A_622 : memref<1x80xi32, #tpu.memory_space<vmem>> -> memref<80xi32, #tpu.memory_space<vmem>>
        %dma_wait3A_624 = arith.constant 0 : i32
        %dma_wait3A_625 = arith.constant 0 : i32
        %dma_wait3A_626 = tpu.memref_slice %arg11[%dma_wait3A_624, %dma_wait3A_625] : memref<48x128xf32, #tpu.memory_space<vmem_shared>> -> memref<48x128xf32, #tpu.memory_space<vmem_shared>>
        tpu.wait_indirect_dma semaphore(%arg14 : memref<!tpu.dma_semaphore, #tpu.memory_space<semaphore_mem>>) src(%dma_wait3A_620 : memref<80x128xf32, #tpu.memory_space<vmem>>) dst(%dma_wait3A_626 : memref<48x128xf32, #tpu.memory_space<vmem_shared>>)
        %dma_wait3A_627 = arith.constant 4 : i32
        %dma_wait3A_628 = arith.constant 320 : i32
        %dma_wait3A_629 = arith.constant 0 : i32
        %dma_wait3A_630 = tpu.memref_slice %arg5[%dma_wait3A_628, %dma_wait3A_629] : memref<400x128xf32, #tpu.memory_space<vmem>> -> memref<80x128xf32, #tpu.memory_space<vmem>>
        %dma_wait3A_631 = arith.constant 0 : i32
        %dma_wait3A_632 = tpu.memref_slice %arg9[%dma_wait3A_627, %dma_wait3A_631] : memref<5x80xi32, #tpu.memory_space<vmem>> -> memref<1x80xi32, #tpu.memory_space<vmem>>
        %dma_wait3A_633 = tpu.memref_squeeze %dma_wait3A_632 : memref<1x80xi32, #tpu.memory_space<vmem>> -> memref<80xi32, #tpu.memory_space<vmem>>
        %dma_wait3A_634 = arith.constant 0 : i32
        %dma_wait3A_635 = arith.constant 0 : i32
        %dma_wait3A_636 = tpu.memref_slice %arg11[%dma_wait3A_634, %dma_wait3A_635] : memref<48x128xf32, #tpu.memory_space<vmem_shared>> -> memref<48x128xf32, #tpu.memory_space<vmem_shared>>
        tpu.wait_indirect_dma semaphore(%arg14 : memref<!tpu.dma_semaphore, #tpu.memory_space<semaphore_mem>>) src(%dma_wait3A_630 : memref<80x128xf32, #tpu.memory_space<vmem>>) dst(%dma_wait3A_636 : memref<48x128xf32, #tpu.memory_space<vmem_shared>>)
      } else {
      }
      %add3A_229 = arith.constant 2 : i32
      %add3A_230 = arith.addi %mul3A_206, %add3A_229 : i32
      %mul3A_231 = arith.constant 32 : i32
      %mul3A_232 = arith.muli %add3A_230, %mul3A_231 : i32
      %add3A_233 = arith.constant 150 : i32
      %add3A_234 = arith.addi %add3A_233, %mul3A_232 : i32
      %add3A_235 = arith.addi %add3A_234, %add3A : i32
      %lt3A_236 = arith.constant 250 : i32
      %lt3A_237 = arith.cmpi slt, %add3A_235, %lt3A_236 : i32
      %convert_element_type3A_238 = arith.extui %lt3A_237 : i1 to i32
      %cond3A_239 = arith.constant 0 : i32
      %cond3A_240 = arith.cmpi ne, %convert_element_type3A_238, %cond3A_239 : i32
      scf.if %cond3A_240 {
        %mul3A_253 = arith.constant 400 : i32
        %mul3A_254 = arith.muli %add3A_235, %mul3A_253 : i32
        %dma_start3A = arith.constant 0 : i32
        %dma_start3A_255 = tpu.memref_slice %arg2[%mul3A_254, %dma_start3A] : memref<100000x128xf32, #tpu.memory_space<hbm>> -> memref<400x128xf32, #tpu.memory_space<hbm>>
        %dma_start3A_256 = arith.constant 0 : i32
        %dma_start3A_257 = tpu.memref_slice %arg2[%mul3A_254, %dma_start3A_256] : memref<100000x128xf32, #tpu.memory_space<hbm>> -> memref<400x128xf32, #tpu.memory_space<hbm>>
        tpu.enqueue_dma source(%dma_start3A_257 : memref<400x128xf32, #tpu.memory_space<hbm>>) target(%arg5 : memref<400x128xf32, #tpu.memory_space<vmem>>) target_semaphore(%arg12 : memref<!tpu.dma_semaphore, #tpu.memory_space<semaphore_mem>>)
        %dma_start3A_258 = tpu.memref_slice %arg3[%mul3A_254] : memref<100000xi32, #tpu.memory_space<hbm>> -> memref<400xi32, #tpu.memory_space<hbm>>
        %dma_start3A_259 = tpu.memref_slice %arg3[%mul3A_254] : memref<100000xi32, #tpu.memory_space<hbm>> -> memref<400xi32, #tpu.memory_space<hbm>>
        tpu.enqueue_dma source(%dma_start3A_259 : memref<400xi32, #tpu.memory_space<hbm>>) target(%arg7 : memref<400xi32, #tpu.memory_space<vmem>>) target_semaphore(%arg12 : memref<!tpu.dma_semaphore, #tpu.memory_space<semaphore_mem>>)
      } else {
      }
      %add3A_241 = arith.constant 1 : i32
      %add3A_242 = arith.addi %mul3A_206, %add3A_241 : i32
      %mul3A_243 = arith.constant 32 : i32
      %mul3A_244 = arith.muli %add3A_242, %mul3A_243 : i32
      %add3A_245 = arith.constant 150 : i32
      %add3A_246 = arith.addi %add3A_245, %mul3A_244 : i32
      %add3A_247 = arith.addi %add3A_246, %add3A : i32
      %lt3A_248 = arith.constant 250 : i32
      %lt3A_249 = arith.cmpi slt, %add3A_247, %lt3A_248 : i32
      %convert_element_type3A_250 = arith.extui %lt3A_249 : i1 to i32
      %cond3A_251 = arith.constant 0 : i32
      %cond3A_252 = arith.cmpi ne, %convert_element_type3A_250, %cond3A_251 : i32
      scf.if %cond3A_252 {
        %dma_wait3A = arith.constant 0 : i32
        %dma_wait3A_253 = arith.constant 0 : i32
        %dma_wait3A_254 = tpu.memref_slice %arg2[%dma_wait3A, %dma_wait3A_253] : memref<100000x128xf32, #tpu.memory_space<hbm>> -> memref<400x128xf32, #tpu.memory_space<hbm>>
        %dma_wait3A_255 = arith.constant 0 : i32
        %dma_wait3A_256 = arith.constant 0 : i32
        %dma_wait3A_257 = tpu.memref_slice %arg2[%dma_wait3A_255, %dma_wait3A_256] : memref<100000x128xf32, #tpu.memory_space<hbm>> -> memref<400x128xf32, #tpu.memory_space<hbm>>
        tpu.wait_dma2 semaphore(%arg13 : memref<!tpu.dma_semaphore, #tpu.memory_space<semaphore_mem>>) src(%dma_wait3A_257 : memref<400x128xf32, #tpu.memory_space<hbm>>) dst(%arg6 : memref<400x128xf32, #tpu.memory_space<vmem>>)
        %dma_wait3A_258 = arith.constant 0 : i32
        %dma_wait3A_259 = tpu.memref_slice %arg3[%dma_wait3A_258] : memref<100000xi32, #tpu.memory_space<hbm>> -> memref<400xi32, #tpu.memory_space<hbm>>
        %dma_wait3A_260 = arith.constant 0 : i32
        %dma_wait3A_261 = tpu.memref_slice %arg3[%dma_wait3A_260] : memref<100000xi32, #tpu.memory_space<hbm>> -> memref<400xi32, #tpu.memory_space<hbm>>
        tpu.wait_dma2 semaphore(%arg13 : memref<!tpu.dma_semaphore, #tpu.memory_space<semaphore_mem>>) src(%dma_wait3A_261 : memref<400xi32, #tpu.memory_space<hbm>>) dst(%arg8 : memref<400xi32, #tpu.memory_space<vmem>>)
        %mul3A_262 = arith.constant 3 : i32
        %mul3A_263 = arith.muli %mul3A_262, %arg1 : i32
        %get3A = arith.constant 0 : index
        %get3A_264 = tpu.vector_load %arg8[%get3A] {strides = array<i32>} : memref<400xi32, #tpu.memory_space<vmem>>, vector<16xi32>,
        %get3A_265 = vector.shape_cast %get3A_264 : vector<16xi32> to vector<16xi32>
        %add3A_266 = vector.broadcast %mul3A_263 : i32 to vector<16xi32>
        %add3A_267 = arith.addi %get3A_265, %add3A_266 : vector<16xi32>
        %swap3A_268 = arith.constant 0 : i32
        %swap3A_269 = arith.index_cast %swap3A_268 : i32 to index
        %swap3A_270 = arith.constant 0 : index
        %swap3A_271 = tpu.vector_load %arg9[%swap3A_269, %swap3A_270] {strides = array<i32>} : memref<5x80xi32, #tpu.memory_space<vmem>>, vector<1x16xi32>,
        %swap3A_272 = vector.shape_cast %swap3A_271 : vector<1x16xi32> to vector<16xi32>
        %swap3A_273 = vector.shape_cast %add3A_267 : vector<16xi32> to vector<1x16xi32>
        tpu.vector_store %arg9[%swap3A_269, %swap3A_270], %swap3A_273 {strides = array<i32>} : memref<5x80xi32, #tpu.memory_space<vmem>>, vector<1x16xi32>,
        %get3A_274 = arith.constant 16 : index
        %get3A_275 = tpu.vector_load %arg8[%get3A_274] {strides = array<i32>} : memref<400xi32, #tpu.memory_space<vmem>>, vector<16xi32>,
        %get3A_276 = vector.shape_cast %get3A_275 : vector<16xi32> to vector<16xi32>
        %add3A_277 = vector.broadcast %mul3A_263 : i32 to vector<16xi32>
        %add3A_278 = arith.addi %get3A_276, %add3A_277 : vector<16xi32>
        %swap3A_279 = arith.constant 0 : i32
        %swap3A_280 = arith.index_cast %swap3A_279 : i32 to index
        %swap3A_281 = arith.constant 16 : index
        %swap3A_282 = tpu.vector_load %arg9[%swap3A_280, %swap3A_281] {strides = array<i32>} : memref<5x80xi32, #tpu.memory_space<vmem>>, vector<1x16xi32>,
        %swap3A_283 = vector.shape_cast %swap3A_282 : vector<1x16xi32> to vector<16xi32>
        %swap3A_284 = vector.shape_cast %add3A_278 : vector<16xi32> to vector<1x16xi32>
        tpu.vector_store %arg9[%swap3A_280, %swap3A_281], %swap3A_284 {strides = array<i32>} : memref<5x80xi32, #tpu.memory_space<vmem>>, vector<1x16xi32>,
        %get3A_285 = arith.constant 32 : index
        %get3A_286 = tpu.vector_load %arg8[%get3A_285] {strides = array<i32>} : memref<400xi32, #tpu.memory_space<vmem>>, vector<16xi32>,
        %get3A_287 = vector.shape_cast %get3A_286 : vector<16xi32> to vector<16xi32>
        %add3A_288 = vector.broadcast %mul3A_263 : i32 to vector<16xi32>
        %add3A_289 = arith.addi %get3A_287, %add3A_288 : vector<16xi32>
        %swap3A_290 = arith.constant 0 : i32
        %swap3A_291 = arith.index_cast %swap3A_290 : i32 to index
        %swap3A_292 = arith.constant 32 : index
        %swap3A_293 = tpu.vector_load %arg9[%swap3A_291, %swap3A_292] {strides = array<i32>} : memref<5x80xi32, #tpu.memory_space<vmem>>, vector<1x16xi32>,
        %swap3A_294 = vector.shape_cast %swap3A_293 : vector<1x16xi32> to vector<16xi32>
        %swap3A_295 = vector.shape_cast %add3A_289 : vector<16xi32> to vector<1x16xi32>
        tpu.vector_store %arg9[%swap3A_291, %swap3A_292], %swap3A_295 {strides = array<i32>} : memref<5x80xi32, #tpu.memory_space<vmem>>, vector<1x16xi32>,
        %get3A_296 = arith.constant 48 : index
        %get3A_297 = tpu.vector_load %arg8[%get3A_296] {strides = array<i32>} : memref<400xi32, #tpu.memory_space<vmem>>, vector<16xi32>,
        %get3A_298 = vector.shape_cast %get3A_297 : vector<16xi32> to vector<16xi32>
        %add3A_299 = vector.broadcast %mul3A_263 : i32 to vector<16xi32>
        %add3A_300 = arith.addi %get3A_298, %add3A_299 : vector<16xi32>
        %swap3A_301 = arith.constant 0 : i32
        %swap3A_302 = arith.index_cast %swap3A_301 : i32 to index
        %swap3A_303 = arith.constant 48 : index
        %swap3A_304 = tpu.vector_load %arg9[%swap3A_302, %swap3A_303] {strides = array<i32>} : memref<5x80xi32, #tpu.memory_space<vmem>>, vector<1x16xi32>,
        %swap3A_305 = vector.shape_cast %swap3A_304 : vector<1x16xi32> to vector<16xi32>
        %swap3A_306 = vector.shape_cast %add3A_300 : vector<16xi32> to vector<1x16xi32>
        tpu.vector_store %arg9[%swap3A_302, %swap3A_303], %swap3A_306 {strides = array<i32>} : memref<5x80xi32, #tpu.memory_space<vmem>>, vector<1x16xi32>,
        %get3A_307 = arith.constant 64 : index
        %get3A_308 = tpu.vector_load %arg8[%get3A_307] {strides = array<i32>} : memref<400xi32, #tpu.memory_space<vmem>>, vector<16xi32>,
        %get3A_309 = vector.shape_cast %get3A_308 : vector<16xi32> to vector<16xi32>
        %add3A_310 = vector.broadcast %mul3A_263 : i32 to vector<16xi32>
        %add3A_311 = arith.addi %get3A_309, %add3A_310 : vector<16xi32>
        %swap3A_312 = arith.constant 0 : i32
        %swap3A_313 = arith.index_cast %swap3A_312 : i32 to index
        %swap3A_314 = arith.constant 64 : index
        %swap3A_315 = tpu.vector_load %arg9[%swap3A_313, %swap3A_314] {strides = array<i32>} : memref<5x80xi32, #tpu.memory_space<vmem>>, vector<1x16xi32>,
        %swap3A_316 = vector.shape_cast %swap3A_315 : vector<1x16xi32> to vector<16xi32>
        %swap3A_317 = vector.shape_cast %add3A_311 : vector<16xi32> to vector<1x16xi32>
        tpu.vector_store %arg9[%swap3A_313, %swap3A_314], %swap3A_317 {strides = array<i32>} : memref<5x80xi32, #tpu.memory_space<vmem>>, vector<1x16xi32>,
        %get3A_318 = arith.constant 80 : index
        %get3A_319 = tpu.vector_load %arg8[%get3A_318] {strides = array<i32>} : memref<400xi32, #tpu.memory_space<vmem>>, vector<16xi32>,
        %get3A_320 = vector.shape_cast %get3A_319 : vector<16xi32> to vector<16xi32>
        %add3A_321 = vector.broadcast %mul3A_263 : i32 to vector<16xi32>
        %add3A_322 = arith.addi %get3A_320, %add3A_321 : vector<16xi32>
        %swap3A_323 = arith.constant 1 : i32
        %swap3A_324 = arith.index_cast %swap3A_323 : i32 to index
        %swap3A_325 = arith.constant 0 : index
        %swap3A_326 = tpu.vector_load %arg9[%swap3A_324, %swap3A_325] {strides = array<i32>} : memref<5x80xi32, #tpu.memory_space<vmem>>, vector<1x16xi32>,
        %swap3A_327 = vector.shape_cast %swap3A_326 : vector<1x16xi32> to vector<16xi32>
        %swap3A_328 = vector.shape_cast %add3A_322 : vector<16xi32> to vector<1x16xi32>
        tpu.vector_store %arg9[%swap3A_324, %swap3A_325], %swap3A_328 {strides = array<i32>} : memref<5x80xi32, #tpu.memory_space<vmem>>, vector<1x16xi32>,
        %get3A_329 = arith.constant 96 : index
        %get3A_330 = tpu.vector_load %arg8[%get3A_329] {strides = array<i32>} : memref<400xi32, #tpu.memory_space<vmem>>, vector<16xi32>,
        %get3A_331 = vector.shape_cast %get3A_330 : vector<16xi32> to vector<16xi32>
        %add3A_332 = vector.broadcast %mul3A_263 : i32 to vector<16xi32>
        %add3A_333 = arith.addi %get3A_331, %add3A_332 : vector<16xi32>
        %swap3A_334 = arith.constant 1 : i32
        %swap3A_335 = arith.index_cast %swap3A_334 : i32 to index
        %swap3A_336 = arith.constant 16 : index
        %swap3A_337 = tpu.vector_load %arg9[%swap3A_335, %swap3A_336] {strides = array<i32>} : memref<5x80xi32, #tpu.memory_space<vmem>>, vector<1x16xi32>,
        %swap3A_338 = vector.shape_cast %swap3A_337 : vector<1x16xi32> to vector<16xi32>
        %swap3A_339 = vector.shape_cast %add3A_333 : vector<16xi32> to vector<1x16xi32>
        tpu.vector_store %arg9[%swap3A_335, %swap3A_336], %swap3A_339 {strides = array<i32>} : memref<5x80xi32, #tpu.memory_space<vmem>>, vector<1x16xi32>,
        %get3A_340 = arith.constant 112 : index
        %get3A_341 = tpu.vector_load %arg8[%get3A_340] {strides = array<i32>} : memref<400xi32, #tpu.memory_space<vmem>>, vector<16xi32>,
        %get3A_342 = vector.shape_cast %get3A_341 : vector<16xi32> to vector<16xi32>
        %add3A_343 = vector.broadcast %mul3A_263 : i32 to vector<16xi32>
        %add3A_344 = arith.addi %get3A_342, %add3A_343 : vector<16xi32>
        %swap3A_345 = arith.constant 1 : i32
        %swap3A_346 = arith.index_cast %swap3A_345 : i32 to index
        %swap3A_347 = arith.constant 32 : index
        %swap3A_348 = tpu.vector_load %arg9[%swap3A_346, %swap3A_347] {strides = array<i32>} : memref<5x80xi32, #tpu.memory_space<vmem>>, vector<1x16xi32>,
        %swap3A_349 = vector.shape_cast %swap3A_348 : vector<1x16xi32> to vector<16xi32>
        %swap3A_350 = vector.shape_cast %add3A_344 : vector<16xi32> to vector<1x16xi32>
        tpu.vector_store %arg9[%swap3A_346, %swap3A_347], %swap3A_350 {strides = array<i32>} : memref<5x80xi32, #tpu.memory_space<vmem>>, vector<1x16xi32>,
        %get3A_351 = arith.constant 128 : index
        %get3A_352 = tpu.vector_load %arg8[%get3A_351] {strides = array<i32>} : memref<400xi32, #tpu.memory_space<vmem>>, vector<16xi32>,
        %get3A_353 = vector.shape_cast %get3A_352 : vector<16xi32> to vector<16xi32>
        %add3A_354 = vector.broadcast %mul3A_263 : i32 to vector<16xi32>
        %add3A_355 = arith.addi %get3A_353, %add3A_354 : vector<16xi32>
        %swap3A_356 = arith.constant 1 : i32
        %swap3A_357 = arith.index_cast %swap3A_356 : i32 to index
        %swap3A_358 = arith.constant 48 : index
        %swap3A_359 = tpu.vector_load %arg9[%swap3A_357, %swap3A_358] {strides = array<i32>} : memref<5x80xi32, #tpu.memory_space<vmem>>, vector<1x16xi32>,
        %swap3A_360 = vector.shape_cast %swap3A_359 : vector<1x16xi32> to vector<16xi32>
        %swap3A_361 = vector.shape_cast %add3A_355 : vector<16xi32> to vector<1x16xi32>
        tpu.vector_store %arg9[%swap3A_357, %swap3A_358], %swap3A_361 {strides = array<i32>} : memref<5x80xi32, #tpu.memory_space<vmem>>, vector<1x16xi32>,
        %get3A_362 = arith.constant 144 : index
        %get3A_363 = tpu.vector_load %arg8[%get3A_362] {strides = array<i32>} : memref<400xi32, #tpu.memory_space<vmem>>, vector<16xi32>,
        %get3A_364 = vector.shape_cast %get3A_363 : vector<16xi32> to vector<16xi32>
        %add3A_365 = vector.broadcast %mul3A_263 : i32 to vector<16xi32>
        %add3A_366 = arith.addi %get3A_364, %add3A_365 : vector<16xi32>
        %swap3A_367 = arith.constant 1 : i32
        %swap3A_368 = arith.index_cast %swap3A_367 : i32 to index
        %swap3A_369 = arith.constant 64 : index
        %swap3A_370 = tpu.vector_load %arg9[%swap3A_368, %swap3A_369] {strides = array<i32>} : memref<5x80xi32, #tpu.memory_space<vmem>>, vector<1x16xi32>,
        %swap3A_371 = vector.shape_cast %swap3A_370 : vector<1x16xi32> to vector<16xi32>
        %swap3A_372 = vector.shape_cast %add3A_366 : vector<16xi32> to vector<1x16xi32>
        tpu.vector_store %arg9[%swap3A_368, %swap3A_369], %swap3A_372 {strides = array<i32>} : memref<5x80xi32, #tpu.memory_space<vmem>>, vector<1x16xi32>,
        %get3A_373 = arith.constant 160 : index
        %get3A_374 = tpu.vector_load %arg8[%get3A_373] {strides = array<i32>} : memref<400xi32, #tpu.memory_space<vmem>>, vector<16xi32>,
        %get3A_375 = vector.shape_cast %get3A_374 : vector<16xi32> to vector<16xi32>
        %add3A_376 = vector.broadcast %mul3A_263 : i32 to vector<16xi32>
        %add3A_377 = arith.addi %get3A_375, %add3A_376 : vector<16xi32>
        %swap3A_378 = arith.constant 2 : i32
        %swap3A_379 = arith.index_cast %swap3A_378 : i32 to index
        %swap3A_380 = arith.constant 0 : index
        %swap3A_381 = tpu.vector_load %arg9[%swap3A_379, %swap3A_380] {strides = array<i32>} : memref<5x80xi32, #tpu.memory_space<vmem>>, vector<1x16xi32>,
        %swap3A_382 = vector.shape_cast %swap3A_381 : vector<1x16xi32> to vector<16xi32>
        %swap3A_383 = vector.shape_cast %add3A_377 : vector<16xi32> to vector<1x16xi32>
        tpu.vector_store %arg9[%swap3A_379, %swap3A_380], %swap3A_383 {strides = array<i32>} : memref<5x80xi32, #tpu.memory_space<vmem>>, vector<1x16xi32>,
        %get3A_384 = arith.constant 176 : index
        %get3A_385 = tpu.vector_load %arg8[%get3A_384] {strides = array<i32>} : memref<400xi32, #tpu.memory_space<vmem>>, vector<16xi32>,
        %get3A_386 = vector.shape_cast %get3A_385 : vector<16xi32> to vector<16xi32>
        %add3A_387 = vector.broadcast %mul3A_263 : i32 to vector<16xi32>
        %add3A_388 = arith.addi %get3A_386, %add3A_387 : vector<16xi32>
        %swap3A_389 = arith.constant 2 : i32
        %swap3A_390 = arith.index_cast %swap3A_389 : i32 to index
        %swap3A_391 = arith.constant 16 : index
        %swap3A_392 = tpu.vector_load %arg9[%swap3A_390, %swap3A_391] {strides = array<i32>} : memref<5x80xi32, #tpu.memory_space<vmem>>, vector<1x16xi32>,
        %swap3A_393 = vector.shape_cast %swap3A_392 : vector<1x16xi32> to vector<16xi32>
        %swap3A_394 = vector.shape_cast %add3A_388 : vector<16xi32> to vector<1x16xi32>
        tpu.vector_store %arg9[%swap3A_390, %swap3A_391], %swap3A_394 {strides = array<i32>} : memref<5x80xi32, #tpu.memory_space<vmem>>, vector<1x16xi32>,
        %get3A_395 = arith.constant 192 : index
        %get3A_396 = tpu.vector_load %arg8[%get3A_395] {strides = array<i32>} : memref<400xi32, #tpu.memory_space<vmem>>, vector<16xi32>,
        %get3A_397 = vector.shape_cast %get3A_396 : vector<16xi32> to vector<16xi32>
        %add3A_398 = vector.broadcast %mul3A_263 : i32 to vector<16xi32>
        %add3A_399 = arith.addi %get3A_397, %add3A_398 : vector<16xi32>
        %swap3A_400 = arith.constant 2 : i32
        %swap3A_401 = arith.index_cast %swap3A_400 : i32 to index
        %swap3A_402 = arith.constant 32 : index
        %swap3A_403 = tpu.vector_load %arg9[%swap3A_401, %swap3A_402] {strides = array<i32>} : memref<5x80xi32, #tpu.memory_space<vmem>>, vector<1x16xi32>,
        %swap3A_404 = vector.shape_cast %swap3A_403 : vector<1x16xi32> to vector<16xi32>
        %swap3A_405 = vector.shape_cast %add3A_399 : vector<16xi32> to vector<1x16xi32>
        tpu.vector_store %arg9[%swap3A_401, %swap3A_402], %swap3A_405 {strides = array<i32>} : memref<5x80xi32, #tpu.memory_space<vmem>>, vector<1x16xi32>,
        %get3A_406 = arith.constant 208 : index
        %get3A_407 = tpu.vector_load %arg8[%get3A_406] {strides = array<i32>} : memref<400xi32, #tpu.memory_space<vmem>>, vector<16xi32>,
        %get3A_408 = vector.shape_cast %get3A_407 : vector<16xi32> to vector<16xi32>
        %add3A_409 = vector.broadcast %mul3A_263 : i32 to vector<16xi32>
        %add3A_410 = arith.addi %get3A_408, %add3A_409 : vector<16xi32>
        %swap3A_411 = arith.constant 2 : i32
        %swap3A_412 = arith.index_cast %swap3A_411 : i32 to index
        %swap3A_413 = arith.constant 48 : index
        %swap3A_414 = tpu.vector_load %arg9[%swap3A_412, %swap3A_413] {strides = array<i32>} : memref<5x80xi32, #tpu.memory_space<vmem>>, vector<1x16xi32>,
        %swap3A_415 = vector.shape_cast %swap3A_414 : vector<1x16xi32> to vector<16xi32>
        %swap3A_416 = vector.shape_cast %add3A_410 : vector<16xi32> to vector<1x16xi32>
        tpu.vector_store %arg9[%swap3A_412, %swap3A_413], %swap3A_416 {strides = array<i32>} : memref<5x80xi32, #tpu.memory_space<vmem>>, vector<1x16xi32>,
        %get3A_417 = arith.constant 224 : index
        %get3A_418 = tpu.vector_load %arg8[%get3A_417] {strides = array<i32>} : memref<400xi32, #tpu.memory_space<vmem>>, vector<16xi32>,
        %get3A_419 = vector.shape_cast %get3A_418 : vector<16xi32> to vector<16xi32>
        %add3A_420 = vector.broadcast %mul3A_263 : i32 to vector<16xi32>
        %add3A_421 = arith.addi %get3A_419, %add3A_420 : vector<16xi32>
        %swap3A_422 = arith.constant 2 : i32
        %swap3A_423 = arith.index_cast %swap3A_422 : i32 to index
        %swap3A_424 = arith.constant 64 : index
        %swap3A_425 = tpu.vector_load %arg9[%swap3A_423, %swap3A_424] {strides = array<i32>} : memref<5x80xi32, #tpu.memory_space<vmem>>, vector<1x16xi32>,
        %swap3A_426 = vector.shape_cast %swap3A_425 : vector<1x16xi32> to vector<16xi32>
        %swap3A_427 = vector.shape_cast %add3A_421 : vector<16xi32> to vector<1x16xi32>
        tpu.vector_store %arg9[%swap3A_423, %swap3A_424], %swap3A_427 {strides = array<i32>} : memref<5x80xi32, #tpu.memory_space<vmem>>, vector<1x16xi32>,
        %get3A_428 = arith.constant 240 : index
        %get3A_429 = tpu.vector_load %arg8[%get3A_428] {strides = array<i32>} : memref<400xi32, #tpu.memory_space<vmem>>, vector<16xi32>,
        %get3A_430 = vector.shape_cast %get3A_429 : vector<16xi32> to vector<16xi32>
        %add3A_431 = vector.broadcast %mul3A_263 : i32 to vector<16xi32>
        %add3A_432 = arith.addi %get3A_430, %add3A_431 : vector<16xi32>
        %swap3A_433 = arith.constant 3 : i32
        %swap3A_434 = arith.index_cast %swap3A_433 : i32 to index
        %swap3A_435 = arith.constant 0 : index
        %swap3A_436 = tpu.vector_load %arg9[%swap3A_434, %swap3A_435] {strides = array<i32>} : memref<5x80xi32, #tpu.memory_space<vmem>>, vector<1x16xi32>,
        %swap3A_437 = vector.shape_cast %swap3A_436 : vector<1x16xi32> to vector<16xi32>
        %swap3A_438 = vector.shape_cast %add3A_432 : vector<16xi32> to vector<1x16xi32>
        tpu.vector_store %arg9[%swap3A_434, %swap3A_435], %swap3A_438 {strides = array<i32>} : memref<5x80xi32, #tpu.memory_space<vmem>>, vector<1x16xi32>,
        %get3A_439 = arith.constant 256 : index
        %get3A_440 = tpu.vector_load %arg8[%get3A_439] {strides = array<i32>} : memref<400xi32, #tpu.memory_space<vmem>>, vector<16xi32>,
        %get3A_441 = vector.shape_cast %get3A_440 : vector<16xi32> to vector<16xi32>
        %add3A_442 = vector.broadcast %mul3A_263 : i32 to vector<16xi32>
        %add3A_443 = arith.addi %get3A_441, %add3A_442 : vector<16xi32>
        %swap3A_444 = arith.constant 3 : i32
        %swap3A_445 = arith.index_cast %swap3A_444 : i32 to index
        %swap3A_446 = arith.constant 16 : index
        %swap3A_447 = tpu.vector_load %arg9[%swap3A_445, %swap3A_446] {strides = array<i32>} : memref<5x80xi32, #tpu.memory_space<vmem>>, vector<1x16xi32>,
        %swap3A_448 = vector.shape_cast %swap3A_447 : vector<1x16xi32> to vector<16xi32>
        %swap3A_449 = vector.shape_cast %add3A_443 : vector<16xi32> to vector<1x16xi32>
        tpu.vector_store %arg9[%swap3A_445, %swap3A_446], %swap3A_449 {strides = array<i32>} : memref<5x80xi32, #tpu.memory_space<vmem>>, vector<1x16xi32>,
        %get3A_450 = arith.constant 272 : index
        %get3A_451 = tpu.vector_load %arg8[%get3A_450] {strides = array<i32>} : memref<400xi32, #tpu.memory_space<vmem>>, vector<16xi32>,
        %get3A_452 = vector.shape_cast %get3A_451 : vector<16xi32> to vector<16xi32>
        %add3A_453 = vector.broadcast %mul3A_263 : i32 to vector<16xi32>
        %add3A_454 = arith.addi %get3A_452, %add3A_453 : vector<16xi32>
        %swap3A_455 = arith.constant 3 : i32
        %swap3A_456 = arith.index_cast %swap3A_455 : i32 to index
        %swap3A_457 = arith.constant 32 : index
        %swap3A_458 = tpu.vector_load %arg9[%swap3A_456, %swap3A_457] {strides = array<i32>} : memref<5x80xi32, #tpu.memory_space<vmem>>, vector<1x16xi32>,
        %swap3A_459 = vector.shape_cast %swap3A_458 : vector<1x16xi32> to vector<16xi32>
        %swap3A_460 = vector.shape_cast %add3A_454 : vector<16xi32> to vector<1x16xi32>
        tpu.vector_store %arg9[%swap3A_456, %swap3A_457], %swap3A_460 {strides = array<i32>} : memref<5x80xi32, #tpu.memory_space<vmem>>, vector<1x16xi32>,
        %get3A_461 = arith.constant 288 : index
        %get3A_462 = tpu.vector_load %arg8[%get3A_461] {strides = array<i32>} : memref<400xi32, #tpu.memory_space<vmem>>, vector<16xi32>,
        %get3A_463 = vector.shape_cast %get3A_462 : vector<16xi32> to vector<16xi32>
        %add3A_464 = vector.broadcast %mul3A_263 : i32 to vector<16xi32>
        %add3A_465 = arith.addi %get3A_463, %add3A_464 : vector<16xi32>
        %swap3A_466 = arith.constant 3 : i32
        %swap3A_467 = arith.index_cast %swap3A_466 : i32 to index
        %swap3A_468 = arith.constant 48 : index
        %swap3A_469 = tpu.vector_load %arg9[%swap3A_467, %swap3A_468] {strides = array<i32>} : memref<5x80xi32, #tpu.memory_space<vmem>>, vector<1x16xi32>,
        %swap3A_470 = vector.shape_cast %swap3A_469 : vector<1x16xi32> to vector<16xi32>
        %swap3A_471 = vector.shape_cast %add3A_465 : vector<16xi32> to vector<1x16xi32>
        tpu.vector_store %arg9[%swap3A_467, %swap3A_468], %swap3A_471 {strides = array<i32>} : memref<5x80xi32, #tpu.memory_space<vmem>>, vector<1x16xi32>,
        %get3A_472 = arith.constant 304 : index
        %get3A_473 = tpu.vector_load %arg8[%get3A_472] {strides = array<i32>} : memref<400xi32, #tpu.memory_space<vmem>>, vector<16xi32>,
        %get3A_474 = vector.shape_cast %get3A_473 : vector<16xi32> to vector<16xi32>
        %add3A_475 = vector.broadcast %mul3A_263 : i32 to vector<16xi32>
        %add3A_476 = arith.addi %get3A_474, %add3A_475 : vector<16xi32>
        %swap3A_477 = arith.constant 3 : i32
        %swap3A_478 = arith.index_cast %swap3A_477 : i32 to index
        %swap3A_479 = arith.constant 64 : index
        %swap3A_480 = tpu.vector_load %arg9[%swap3A_478, %swap3A_479] {strides = array<i32>} : memref<5x80xi32, #tpu.memory_space<vmem>>, vector<1x16xi32>,
        %swap3A_481 = vector.shape_cast %swap3A_480 : vector<1x16xi32> to vector<16xi32>
        %swap3A_482 = vector.shape_cast %add3A_476 : vector<16xi32> to vector<1x16xi32>
        tpu.vector_store %arg9[%swap3A_478, %swap3A_479], %swap3A_482 {strides = array<i32>} : memref<5x80xi32, #tpu.memory_space<vmem>>, vector<1x16xi32>,
        %get3A_483 = arith.constant 320 : index
        %get3A_484 = tpu.vector_load %arg8[%get3A_483] {strides = array<i32>} : memref<400xi32, #tpu.memory_space<vmem>>, vector<16xi32>,
        %get3A_485 = vector.shape_cast %get3A_484 : vector<16xi32> to vector<16xi32>
        %add3A_486 = vector.broadcast %mul3A_263 : i32 to vector<16xi32>
        %add3A_487 = arith.addi %get3A_485, %add3A_486 : vector<16xi32>
        %swap3A_488 = arith.constant 4 : i32
        %swap3A_489 = arith.index_cast %swap3A_488 : i32 to index
        %swap3A_490 = arith.constant 0 : index
        %swap3A_491 = tpu.vector_load %arg9[%swap3A_489, %swap3A_490] {strides = array<i32>} : memref<5x80xi32, #tpu.memory_space<vmem>>, vector<1x16xi32>,
        %swap3A_492 = vector.shape_cast %swap3A_491 : vector<1x16xi32> to vector<16xi32>
        %swap3A_493 = vector.shape_cast %add3A_487 : vector<16xi32> to vector<1x16xi32>
        tpu.vector_store %arg9[%swap3A_489, %swap3A_490], %swap3A_493 {strides = array<i32>} : memref<5x80xi32, #tpu.memory_space<vmem>>, vector<1x16xi32>,
        %get3A_494 = arith.constant 336 : index
        %get3A_495 = tpu.vector_load %arg8[%get3A_494] {strides = array<i32>} : memref<400xi32, #tpu.memory_space<vmem>>, vector<16xi32>,
        %get3A_496 = vector.shape_cast %get3A_495 : vector<16xi32> to vector<16xi32>
        %add3A_497 = vector.broadcast %mul3A_263 : i32 to vector<16xi32>
        %add3A_498 = arith.addi %get3A_496, %add3A_497 : vector<16xi32>
        %swap3A_499 = arith.constant 4 : i32
        %swap3A_500 = arith.index_cast %swap3A_499 : i32 to index
        %swap3A_501 = arith.constant 16 : index
        %swap3A_502 = tpu.vector_load %arg9[%swap3A_500, %swap3A_501] {strides = array<i32>} : memref<5x80xi32, #tpu.memory_space<vmem>>, vector<1x16xi32>,
        %swap3A_503 = vector.shape_cast %swap3A_502 : vector<1x16xi32> to vector<16xi32>
        %swap3A_504 = vector.shape_cast %add3A_498 : vector<16xi32> to vector<1x16xi32>
        tpu.vector_store %arg9[%swap3A_500, %swap3A_501], %swap3A_504 {strides = array<i32>} : memref<5x80xi32, #tpu.memory_space<vmem>>, vector<1x16xi32>,
        %get3A_505 = arith.constant 352 : index
        %get3A_506 = tpu.vector_load %arg8[%get3A_505] {strides = array<i32>} : memref<400xi32, #tpu.memory_space<vmem>>, vector<16xi32>,
        %get3A_507 = vector.shape_cast %get3A_506 : vector<16xi32> to vector<16xi32>
        %add3A_508 = vector.broadcast %mul3A_263 : i32 to vector<16xi32>
        %add3A_509 = arith.addi %get3A_507, %add3A_508 : vector<16xi32>
        %swap3A_510 = arith.constant 4 : i32
        %swap3A_511 = arith.index_cast %swap3A_510 : i32 to index
        %swap3A_512 = arith.constant 32 : index
        %swap3A_513 = tpu.vector_load %arg9[%swap3A_511, %swap3A_512] {strides = array<i32>} : memref<5x80xi32, #tpu.memory_space<vmem>>, vector<1x16xi32>,
        %swap3A_514 = vector.shape_cast %swap3A_513 : vector<1x16xi32> to vector<16xi32>
        %swap3A_515 = vector.shape_cast %add3A_509 : vector<16xi32> to vector<1x16xi32>
        tpu.vector_store %arg9[%swap3A_511, %swap3A_512], %swap3A_515 {strides = array<i32>} : memref<5x80xi32, #tpu.memory_space<vmem>>, vector<1x16xi32>,
        %get3A_516 = arith.constant 368 : index
        %get3A_517 = tpu.vector_load %arg8[%get3A_516] {strides = array<i32>} : memref<400xi32, #tpu.memory_space<vmem>>, vector<16xi32>,
        %get3A_518 = vector.shape_cast %get3A_517 : vector<16xi32> to vector<16xi32>
        %add3A_519 = vector.broadcast %mul3A_263 : i32 to vector<16xi32>
        %add3A_520 = arith.addi %get3A_518, %add3A_519 : vector<16xi32>
        %swap3A_521 = arith.constant 4 : i32
        %swap3A_522 = arith.index_cast %swap3A_521 : i32 to index
        %swap3A_523 = arith.constant 48 : index
        %swap3A_524 = tpu.vector_load %arg9[%swap3A_522, %swap3A_523] {strides = array<i32>} : memref<5x80xi32, #tpu.memory_space<vmem>>, vector<1x16xi32>,
        %swap3A_525 = vector.shape_cast %swap3A_524 : vector<1x16xi32> to vector<16xi32>
        %swap3A_526 = vector.shape_cast %add3A_520 : vector<16xi32> to vector<1x16xi32>
        tpu.vector_store %arg9[%swap3A_522, %swap3A_523], %swap3A_526 {strides = array<i32>} : memref<5x80xi32, #tpu.memory_space<vmem>>, vector<1x16xi32>,
        %get3A_527 = arith.constant 384 : index
        %get3A_528 = tpu.vector_load %arg8[%get3A_527] {strides = array<i32>} : memref<400xi32, #tpu.memory_space<vmem>>, vector<16xi32>,
        %get3A_529 = vector.shape_cast %get3A_528 : vector<16xi32> to vector<16xi32>
        %add3A_530 = vector.broadcast %mul3A_263 : i32 to vector<16xi32>
        %add3A_531 = arith.addi %get3A_529, %add3A_530 : vector<16xi32>
        %swap3A_532 = arith.constant 4 : i32
        %swap3A_533 = arith.index_cast %swap3A_532 : i32 to index
        %swap3A_534 = arith.constant 64 : index
        %swap3A_535 = tpu.vector_load %arg9[%swap3A_533, %swap3A_534] {strides = array<i32>} : memref<5x80xi32, #tpu.memory_space<vmem>>, vector<1x16xi32>,
        %swap3A_536 = vector.shape_cast %swap3A_535 : vector<1x16xi32> to vector<16xi32>
        %swap3A_537 = vector.shape_cast %add3A_531 : vector<16xi32> to vector<1x16xi32>
        tpu.vector_store %arg9[%swap3A_533, %swap3A_534], %swap3A_537 {strides = array<i32>} : memref<5x80xi32, #tpu.memory_space<vmem>>, vector<1x16xi32>,
        %dma_start3A = arith.constant 0 : i32
        %dma_start3A_538 = arith.constant 0 : i32
        %dma_start3A_539 = arith.constant 0 : i32
        %dma_start3A_540 = tpu.memref_slice %arg6[%dma_start3A_538, %dma_start3A_539] : memref<400x128xf32, #tpu.memory_space<vmem>> -> memref<80x128xf32, #tpu.memory_space<vmem>>
        %dma_start3A_541 = arith.constant 0 : i32
        %dma_start3A_542 = tpu.memref_slice %arg9[%dma_start3A, %dma_start3A_541] : memref<5x80xi32, #tpu.memory_space<vmem>> -> memref<1x80xi32, #tpu.memory_space<vmem>>
        %dma_start3A_543 = tpu.memref_squeeze %dma_start3A_542 : memref<1x80xi32, #tpu.memory_space<vmem>> -> memref<80xi32, #tpu.memory_space<vmem>>
        %dma_start3A_544 = arith.constant 0 : i32
        %dma_start3A_545 = arith.constant 0 : i32
        %dma_start3A_546 = tpu.memref_slice %arg11[%dma_start3A_544, %dma_start3A_545] : memref<48x128xf32, #tpu.memory_space<vmem_shared>> -> memref<48x128xf32, #tpu.memory_space<vmem_shared>>
        tpu.enqueue_indirect_dma source(%dma_start3A_540 : memref<80x128xf32, #tpu.memory_space<vmem>>) target(%dma_start3A_546 : memref<48x128xf32, #tpu.memory_space<vmem_shared>>) offsets(%dma_start3A_543 : memref<80xi32, #tpu.memory_space<vmem>>) semaphore(%arg14 : memref<!tpu.dma_semaphore, #tpu.memory_space<semaphore_mem>>) {add = true}
        %dma_start3A_547 = arith.constant 1 : i32
        %dma_start3A_548 = arith.constant 80 : i32
        %dma_start3A_549 = arith.constant 0 : i32
        %dma_start3A_550 = tpu.memref_slice %arg6[%dma_start3A_548, %dma_start3A_549] : memref<400x128xf32, #tpu.memory_space<vmem>> -> memref<80x128xf32, #tpu.memory_space<vmem>>
        %dma_start3A_551 = arith.constant 0 : i32
        %dma_start3A_552 = tpu.memref_slice %arg9[%dma_start3A_547, %dma_start3A_551] : memref<5x80xi32, #tpu.memory_space<vmem>> -> memref<1x80xi32, #tpu.memory_space<vmem>>
        %dma_start3A_553 = tpu.memref_squeeze %dma_start3A_552 : memref<1x80xi32, #tpu.memory_space<vmem>> -> memref<80xi32, #tpu.memory_space<vmem>>
        %dma_start3A_554 = arith.constant 0 : i32
        %dma_start3A_555 = arith.constant 0 : i32
        %dma_start3A_556 = tpu.memref_slice %arg11[%dma_start3A_554, %dma_start3A_555] : memref<48x128xf32, #tpu.memory_space<vmem_shared>> -> memref<48x128xf32, #tpu.memory_space<vmem_shared>>
        tpu.enqueue_indirect_dma source(%dma_start3A_550 : memref<80x128xf32, #tpu.memory_space<vmem>>) target(%dma_start3A_556 : memref<48x128xf32, #tpu.memory_space<vmem_shared>>) offsets(%dma_start3A_553 : memref<80xi32, #tpu.memory_space<vmem>>) semaphore(%arg14 : memref<!tpu.dma_semaphore, #tpu.memory_space<semaphore_mem>>) {add = true}
        %dma_start3A_557 = arith.constant 2 : i32
        %dma_start3A_558 = arith.constant 160 : i32
        %dma_start3A_559 = arith.constant 0 : i32
        %dma_start3A_560 = tpu.memref_slice %arg6[%dma_start3A_558, %dma_start3A_559] : memref<400x128xf32, #tpu.memory_space<vmem>> -> memref<80x128xf32, #tpu.memory_space<vmem>>
        %dma_start3A_561 = arith.constant 0 : i32
        %dma_start3A_562 = tpu.memref_slice %arg9[%dma_start3A_557, %dma_start3A_561] : memref<5x80xi32, #tpu.memory_space<vmem>> -> memref<1x80xi32, #tpu.memory_space<vmem>>
        %dma_start3A_563 = tpu.memref_squeeze %dma_start3A_562 : memref<1x80xi32, #tpu.memory_space<vmem>> -> memref<80xi32, #tpu.memory_space<vmem>>
        %dma_start3A_564 = arith.constant 0 : i32
        %dma_start3A_565 = arith.constant 0 : i32
        %dma_start3A_566 = tpu.memref_slice %arg11[%dma_start3A_564, %dma_start3A_565] : memref<48x128xf32, #tpu.memory_space<vmem_shared>> -> memref<48x128xf32, #tpu.memory_space<vmem_shared>>
        tpu.enqueue_indirect_dma source(%dma_start3A_560 : memref<80x128xf32, #tpu.memory_space<vmem>>) target(%dma_start3A_566 : memref<48x128xf32, #tpu.memory_space<vmem_shared>>) offsets(%dma_start3A_563 : memref<80xi32, #tpu.memory_space<vmem>>) semaphore(%arg14 : memref<!tpu.dma_semaphore, #tpu.memory_space<semaphore_mem>>) {add = true}
        %dma_start3A_567 = arith.constant 3 : i32
        %dma_start3A_568 = arith.constant 240 : i32
        %dma_start3A_569 = arith.constant 0 : i32
        %dma_start3A_570 = tpu.memref_slice %arg6[%dma_start3A_568, %dma_start3A_569] : memref<400x128xf32, #tpu.memory_space<vmem>> -> memref<80x128xf32, #tpu.memory_space<vmem>>
        %dma_start3A_571 = arith.constant 0 : i32
        %dma_start3A_572 = tpu.memref_slice %arg9[%dma_start3A_567, %dma_start3A_571] : memref<5x80xi32, #tpu.memory_space<vmem>> -> memref<1x80xi32, #tpu.memory_space<vmem>>
        %dma_start3A_573 = tpu.memref_squeeze %dma_start3A_572 : memref<1x80xi32, #tpu.memory_space<vmem>> -> memref<80xi32, #tpu.memory_space<vmem>>
        %dma_start3A_574 = arith.constant 0 : i32
        %dma_start3A_575 = arith.constant 0 : i32
        %dma_start3A_576 = tpu.memref_slice %arg11[%dma_start3A_574, %dma_start3A_575] : memref<48x128xf32, #tpu.memory_space<vmem_shared>> -> memref<48x128xf32, #tpu.memory_space<vmem_shared>>
        tpu.enqueue_indirect_dma source(%dma_start3A_570 : memref<80x128xf32, #tpu.memory_space<vmem>>) target(%dma_start3A_576 : memref<48x128xf32, #tpu.memory_space<vmem_shared>>) offsets(%dma_start3A_573 : memref<80xi32, #tpu.memory_space<vmem>>) semaphore(%arg14 : memref<!tpu.dma_semaphore, #tpu.memory_space<semaphore_mem>>) {add = true}
        %dma_start3A_577 = arith.constant 4 : i32
        %dma_start3A_578 = arith.constant 320 : i32
        %dma_start3A_579 = arith.constant 0 : i32
        %dma_start3A_580 = tpu.memref_slice %arg6[%dma_start3A_578, %dma_start3A_579] : memref<400x128xf32, #tpu.memory_space<vmem>> -> memref<80x128xf32, #tpu.memory_space<vmem>>
        %dma_start3A_581 = arith.constant 0 : i32
        %dma_start3A_582 = tpu.memref_slice %arg9[%dma_start3A_577, %dma_start3A_581] : memref<5x80xi32, #tpu.memory_space<vmem>> -> memref<1x80xi32, #tpu.memory_space<vmem>>
        %dma_start3A_583 = tpu.memref_squeeze %dma_start3A_582 : memref<1x80xi32, #tpu.memory_space<vmem>> -> memref<80xi32, #tpu.memory_space<vmem>>
        %dma_start3A_584 = arith.constant 0 : i32
        %dma_start3A_585 = arith.constant 0 : i32
        %dma_start3A_586 = tpu.memref_slice %arg11[%dma_start3A_584, %dma_start3A_585] : memref<48x128xf32, #tpu.memory_space<vmem_shared>> -> memref<48x128xf32, #tpu.memory_space<vmem_shared>>
        tpu.enqueue_indirect_dma source(%dma_start3A_580 : memref<80x128xf32, #tpu.memory_space<vmem>>) target(%dma_start3A_586 : memref<48x128xf32, #tpu.memory_space<vmem_shared>>) offsets(%dma_start3A_583 : memref<80xi32, #tpu.memory_space<vmem>>) semaphore(%arg14 : memref<!tpu.dma_semaphore, #tpu.memory_space<semaphore_mem>>) {add = true}
        %dma_wait3A_587 = arith.constant 0 : i32
        %dma_wait3A_588 = arith.constant 0 : i32
        %dma_wait3A_589 = arith.constant 0 : i32
        %dma_wait3A_590 = tpu.memref_slice %arg6[%dma_wait3A_588, %dma_wait3A_589] : memref<400x128xf32, #tpu.memory_space<vmem>> -> memref<80x128xf32, #tpu.memory_space<vmem>>
        %dma_wait3A_591 = arith.constant 0 : i32
        %dma_wait3A_592 = tpu.memref_slice %arg9[%dma_wait3A_587, %dma_wait3A_591] : memref<5x80xi32, #tpu.memory_space<vmem>> -> memref<1x80xi32, #tpu.memory_space<vmem>>
        %dma_wait3A_593 = tpu.memref_squeeze %dma_wait3A_592 : memref<1x80xi32, #tpu.memory_space<vmem>> -> memref<80xi32, #tpu.memory_space<vmem>>
        %dma_wait3A_594 = arith.constant 0 : i32
        %dma_wait3A_595 = arith.constant 0 : i32
        %dma_wait3A_596 = tpu.memref_slice %arg11[%dma_wait3A_594, %dma_wait3A_595] : memref<48x128xf32, #tpu.memory_space<vmem_shared>> -> memref<48x128xf32, #tpu.memory_space<vmem_shared>>
        tpu.wait_indirect_dma semaphore(%arg14 : memref<!tpu.dma_semaphore, #tpu.memory_space<semaphore_mem>>) src(%dma_wait3A_590 : memref<80x128xf32, #tpu.memory_space<vmem>>) dst(%dma_wait3A_596 : memref<48x128xf32, #tpu.memory_space<vmem_shared>>)
        %dma_wait3A_597 = arith.constant 1 : i32
        %dma_wait3A_598 = arith.constant 80 : i32
        %dma_wait3A_599 = arith.constant 0 : i32
        %dma_wait3A_600 = tpu.memref_slice %arg6[%dma_wait3A_598, %dma_wait3A_599] : memref<400x128xf32, #tpu.memory_space<vmem>> -> memref<80x128xf32, #tpu.memory_space<vmem>>
        %dma_wait3A_601 = arith.constant 0 : i32
        %dma_wait3A_602 = tpu.memref_slice %arg9[%dma_wait3A_597, %dma_wait3A_601] : memref<5x80xi32, #tpu.memory_space<vmem>> -> memref<1x80xi32, #tpu.memory_space<vmem>>
        %dma_wait3A_603 = tpu.memref_squeeze %dma_wait3A_602 : memref<1x80xi32, #tpu.memory_space<vmem>> -> memref<80xi32, #tpu.memory_space<vmem>>
        %dma_wait3A_604 = arith.constant 0 : i32
        %dma_wait3A_605 = arith.constant 0 : i32
        %dma_wait3A_606 = tpu.memref_slice %arg11[%dma_wait3A_604, %dma_wait3A_605] : memref<48x128xf32, #tpu.memory_space<vmem_shared>> -> memref<48x128xf32, #tpu.memory_space<vmem_shared>>
        tpu.wait_indirect_dma semaphore(%arg14 : memref<!tpu.dma_semaphore, #tpu.memory_space<semaphore_mem>>) src(%dma_wait3A_600 : memref<80x128xf32, #tpu.memory_space<vmem>>) dst(%dma_wait3A_606 : memref<48x128xf32, #tpu.memory_space<vmem_shared>>)
        %dma_wait3A_607 = arith.constant 2 : i32
        %dma_wait3A_608 = arith.constant 160 : i32
        %dma_wait3A_609 = arith.constant 0 : i32
        %dma_wait3A_610 = tpu.memref_slice %arg6[%dma_wait3A_608, %dma_wait3A_609] : memref<400x128xf32, #tpu.memory_space<vmem>> -> memref<80x128xf32, #tpu.memory_space<vmem>>
        %dma_wait3A_611 = arith.constant 0 : i32
        %dma_wait3A_612 = tpu.memref_slice %arg9[%dma_wait3A_607, %dma_wait3A_611] : memref<5x80xi32, #tpu.memory_space<vmem>> -> memref<1x80xi32, #tpu.memory_space<vmem>>
        %dma_wait3A_613 = tpu.memref_squeeze %dma_wait3A_612 : memref<1x80xi32, #tpu.memory_space<vmem>> -> memref<80xi32, #tpu.memory_space<vmem>>
        %dma_wait3A_614 = arith.constant 0 : i32
        %dma_wait3A_615 = arith.constant 0 : i32
        %dma_wait3A_616 = tpu.memref_slice %arg11[%dma_wait3A_614, %dma_wait3A_615] : memref<48x128xf32, #tpu.memory_space<vmem_shared>> -> memref<48x128xf32, #tpu.memory_space<vmem_shared>>
        tpu.wait_indirect_dma semaphore(%arg14 : memref<!tpu.dma_semaphore, #tpu.memory_space<semaphore_mem>>) src(%dma_wait3A_610 : memref<80x128xf32, #tpu.memory_space<vmem>>) dst(%dma_wait3A_616 : memref<48x128xf32, #tpu.memory_space<vmem_shared>>)
        %dma_wait3A_617 = arith.constant 3 : i32
        %dma_wait3A_618 = arith.constant 240 : i32
        %dma_wait3A_619 = arith.constant 0 : i32
        %dma_wait3A_620 = tpu.memref_slice %arg6[%dma_wait3A_618, %dma_wait3A_619] : memref<400x128xf32, #tpu.memory_space<vmem>> -> memref<80x128xf32, #tpu.memory_space<vmem>>
        %dma_wait3A_621 = arith.constant 0 : i32
        %dma_wait3A_622 = tpu.memref_slice %arg9[%dma_wait3A_617, %dma_wait3A_621] : memref<5x80xi32, #tpu.memory_space<vmem>> -> memref<1x80xi32, #tpu.memory_space<vmem>>
        %dma_wait3A_623 = tpu.memref_squeeze %dma_wait3A_622 : memref<1x80xi32, #tpu.memory_space<vmem>> -> memref<80xi32, #tpu.memory_space<vmem>>
        %dma_wait3A_624 = arith.constant 0 : i32
        %dma_wait3A_625 = arith.constant 0 : i32
        %dma_wait3A_626 = tpu.memref_slice %arg11[%dma_wait3A_624, %dma_wait3A_625] : memref<48x128xf32, #tpu.memory_space<vmem_shared>> -> memref<48x128xf32, #tpu.memory_space<vmem_shared>>
        tpu.wait_indirect_dma semaphore(%arg14 : memref<!tpu.dma_semaphore, #tpu.memory_space<semaphore_mem>>) src(%dma_wait3A_620 : memref<80x128xf32, #tpu.memory_space<vmem>>) dst(%dma_wait3A_626 : memref<48x128xf32, #tpu.memory_space<vmem_shared>>)
        %dma_wait3A_627 = arith.constant 4 : i32
        %dma_wait3A_628 = arith.constant 320 : i32
        %dma_wait3A_629 = arith.constant 0 : i32
        %dma_wait3A_630 = tpu.memref_slice %arg6[%dma_wait3A_628, %dma_wait3A_629] : memref<400x128xf32, #tpu.memory_space<vmem>> -> memref<80x128xf32, #tpu.memory_space<vmem>>
        %dma_wait3A_631 = arith.constant 0 : i32
        %dma_wait3A_632 = tpu.memref_slice %arg9[%dma_wait3A_627, %dma_wait3A_631] : memref<5x80xi32, #tpu.memory_space<vmem>> -> memref<1x80xi32, #tpu.memory_space<vmem>>
        %dma_wait3A_633 = tpu.memref_squeeze %dma_wait3A_632 : memref<1x80xi32, #tpu.memory_space<vmem>> -> memref<80xi32, #tpu.memory_space<vmem>>
        %dma_wait3A_634 = arith.constant 0 : i32
        %dma_wait3A_635 = arith.constant 0 : i32
        %dma_wait3A_636 = tpu.memref_slice %arg11[%dma_wait3A_634, %dma_wait3A_635] : memref<48x128xf32, #tpu.memory_space<vmem_shared>> -> memref<48x128xf32, #tpu.memory_space<vmem_shared>>
        tpu.wait_indirect_dma semaphore(%arg14 : memref<!tpu.dma_semaphore, #tpu.memory_space<semaphore_mem>>) src(%dma_wait3A_630 : memref<80x128xf32, #tpu.memory_space<vmem>>) dst(%dma_wait3A_636 : memref<48x128xf32, #tpu.memory_space<vmem_shared>>)
      } else {
      }
    }
    %scan3A_201 = arith.constant 2 : i32
    %mul3A_202 = arith.constant 3 : i32
    %mul3A_203 = arith.muli %mul3A_202, %arg1 : i32
    "tpu.region"() ({
      %run_scoped3A = tpu.sem_alloc : memref<!tpu.dma_semaphore, #tpu.memory_space<semaphore_mem>>
      %dma_start3A = arith.constant 0 : i32
      %dma_start3A_204 = arith.constant 0 : i32
      %dma_start3A_205 = tpu.memref_slice %arg4[%add3A, %dma_start3A, %dma_start3A_204] : memref<32x3x128xf32, #tpu.memory_space<hbm>> -> memref<1x3x128xf32, #tpu.memory_space<hbm>>
      %dma_start3A_206 = tpu.memref_squeeze %dma_start3A_205 : memref<1x3x128xf32, #tpu.memory_space<hbm>> -> memref<3x128xf32, #tpu.memory_space<hbm>>
      %dma_start3A_207 = arith.constant 0 : i32
      %dma_start3A_208 = tpu.memref_slice %arg11[%mul3A_203, %dma_start3A_207] : memref<48x128xf32, #tpu.memory_space<vmem_shared>> -> memref<3x128xf32, #tpu.memory_space<vmem_shared>>
      tpu.enqueue_dma source(%dma_start3A_208 : memref<3x128xf32, #tpu.memory_space<vmem_shared>>) target(%dma_start3A_206 : memref<3x128xf32, #tpu.memory_space<hbm>>) target_semaphore(%run_scoped3A : memref<!tpu.dma_semaphore, #tpu.memory_space<semaphore_mem>>)
      %dma_wait3A = arith.constant 0 : i32
      %dma_wait3A_209 = arith.constant 0 : i32
      %dma_wait3A_210 = tpu.memref_slice %arg4[%add3A, %dma_wait3A, %dma_wait3A_209] : memref<32x3x128xf32, #tpu.memory_space<hbm>> -> memref<1x3x128xf32, #tpu.memory_space<hbm>>
      %dma_wait3A_211 = tpu.memref_squeeze %dma_wait3A_210 : memref<1x3x128xf32, #tpu.memory_space<hbm>> -> memref<3x128xf32, #tpu.memory_space<hbm>>
      %dma_wait3A_212 = arith.constant 0 : i32
      %dma_wait3A_213 = tpu.memref_slice %arg11[%mul3A_203, %dma_wait3A_212] : memref<48x128xf32, #tpu.memory_space<vmem_shared>> -> memref<3x128xf32, #tpu.memory_space<vmem_shared>>
      tpu.wait_dma2 semaphore(%run_scoped3A : memref<!tpu.dma_semaphore, #tpu.memory_space<semaphore_mem>>) src(%dma_wait3A_213 : memref<3x128xf32, #tpu.memory_space<vmem_shared>>) dst(%dma_wait3A_211 : memref<3x128xf32, #tpu.memory_space<hbm>>)
      tpu.yield
    }) : () -> ()
    return
  }
}

module attributes {stable_mosaic.version = 14 : i64} {
  func.func @_tc_segsum_body(%arg0: i32, %arg1: memref<1x1x5000xi32, #tpu.memory_space<vmem>>, %arg2: memref<5000x128xf32, #tpu.memory_space<vmem>>, %arg3: memref<8x128xf32, #tpu.memory_space<vmem>>) attributes {dimension_semantics = [#tpu.dimension_semantics<arbitrary>], iteration_bounds = array<i64: 12>, scalar_prefetch = 0 : i64, scratch_operands = 0 : i64, tpu.core_type = #tpu.core_type<tc>, window_params = [{transform_indices = @transform_0, window_bounds = array<i64: 1, 1, 5000>}, {transform_indices = @transform_1, window_bounds = array<i64: 5000, 128>}, {pipeline_mode = #tpu.pipeline_mode<synchronous>, transform_indices = @transform_2, window_bounds = array<i64: 8, 128>}]} {
    %get3A = arith.constant 0 : index
    %get3A_0 = arith.constant 0 : index
    %get3A_1 = arith.constant 0 : index
    %get3A_2 = vector.load %arg1[%get3A, %get3A_0, %get3A_1] : memref<1x1x5000xi32, #tpu.memory_space<vmem>>, vector<1x1x5000xi32>
    %get3A_3 = vector.shape_cast %get3A_2 : vector<1x1x5000xi32> to vector<5000xi32>
    %iota3A = tpu.iota {dimensions = array<i32: 0>} : vector<8x5000xi32>
    %broadcast_in_dim3A = vector.shape_cast %get3A_3 : vector<5000xi32> to vector<1x5000xi32>
    %eq3A = vector.broadcast %broadcast_in_dim3A : vector<1x5000xi32> to vector<8x5000xi32>
    %eq3A_4 = arith.cmpi eq, %iota3A, %eq3A : vector<8x5000xi32>
    %convert_element_type3A = arith.extui %eq3A_4 : vector<8x5000xi1> to vector<8x5000xi32>
    %convert_element_type3A_5 = arith.sitofp %convert_element_type3A : vector<8x5000xi32> to vector<8x5000xf32>
    %get3A_6 = arith.constant 0 : index
    %get3A_7 = arith.constant 0 : index
    %get3A_8 = vector.load %arg2[%get3A_6, %get3A_7] : memref<5000x128xf32, #tpu.memory_space<vmem>>, vector<5000x128xf32>
    %dot_general3A = arith.constant dense<0.000000e+00> : vector<8x128xf32>
    %dot_general3A_9 = tpu.matmul %convert_element_type3A_5, %get3A_8, %dot_general3A {dimension_numbers = #tpu.dot_dimension_numbers<[1], [0], [0], [1], [0, 0, 1, 1], [], []>, transpose_lhs_hint = false} : vector<8x5000xf32>, vector<5000x128xf32>, vector<8x128xf32> -> vector<8x128xf32>
    %eq3A_10 = arith.constant 0 : i32
    %eq3A_11 = arith.cmpi eq, %arg0, %eq3A_10 : i32
    %convert_element_type3A_12 = arith.extui %eq3A_11 : i1 to i32
    %cond3A = arith.constant 0 : i32
    %cond3A_13 = arith.cmpi ne, %convert_element_type3A_12, %cond3A : i32
    scf.if %cond3A_13 {
      %swap3A = arith.constant 0 : index
      %swap3A_18 = arith.constant 0 : index
      %swap3A_19 = vector.load %arg3[%swap3A, %swap3A_18] : memref<8x128xf32, #tpu.memory_space<vmem>>, vector<8x128xf32>
      tpu.vector_store %arg3[%swap3A, %swap3A_18], %dot_general3A_9 {strides = array<i32>} : memref<8x128xf32, #tpu.memory_space<vmem>>, vector<8x128xf32>,
    } else {
    }
    %ne3A = arith.constant 0 : i32
    %ne3A_14 = arith.cmpi ne, %arg0, %ne3A : i32
    %convert_element_type3A_15 = arith.extui %ne3A_14 : i1 to i32
    %cond3A_16 = arith.constant 0 : i32
    %cond3A_17 = arith.cmpi ne, %convert_element_type3A_15, %cond3A_16 : i32
    scf.if %cond3A_17 {
      %get3A_18 = arith.constant 0 : index
      %get3A_19 = arith.constant 0 : index
      %get3A_20 = vector.load %arg3[%get3A_18, %get3A_19] : memref<8x128xf32, #tpu.memory_space<vmem>>, vector<8x128xf32>
      %add3A = arith.addf %get3A_20, %dot_general3A_9 : vector<8x128xf32>
      %swap3A = arith.constant 0 : index
      %swap3A_21 = arith.constant 0 : index
      %swap3A_22 = vector.load %arg3[%swap3A, %swap3A_21] : memref<8x128xf32, #tpu.memory_space<vmem>>, vector<8x128xf32>
      tpu.vector_store %arg3[%swap3A, %swap3A_21], %add3A {strides = array<i32>} : memref<8x128xf32, #tpu.memory_space<vmem>>, vector<8x128xf32>,
    } else {
    }
    return
  }
  func.func @transform_0(%arg0: i32) -> (i32, i32, i32) {
    %c0_i32 = arith.constant 0 : i32
    %c0_i32_0 = arith.constant 0 : i32
    %c0_i32_1 = arith.constant 0 : i32
    return %arg0, %c0_i32, %c0_i32_0 : i32, i32, i32
  }
  func.func @transform_1(%arg0: i32) -> (i32, i32) {
    %c0_i32 = arith.constant 0 : i32
    %c0_i32_0 = arith.constant 0 : i32
    return %arg0, %c0_i32 : i32, i32
  }
  func.func @transform_2(%arg0: i32) -> (i32, i32) {
    %c0_i32 = arith.constant 0 : i32
    %c0_i32_0 = arith.constant 0 : i32
    %c0_i32_1 = arith.constant 0 : i32
    return %c0_i32, %c0_i32_0 : i32, i32
  }
}

module attributes {stable_mosaic.version = 14 : i64} {
  func.func @_dense_body(%arg0: i32, %arg1: memref<20000x128xf32, #tpu.memory_space<vmem>>, %arg2: memref<1x128xf32, #tpu.memory_space<vmem>>, %arg3: memref<32x3x128xf32, #tpu.memory_space<vmem>>, %arg4: memref<8x128xf32, #tpu.memory_space<vmem>>, %arg5: memref<1x3x20000xf32, #tpu.memory_space<vmem>>) attributes {dimension_semantics = [#tpu.dimension_semantics<arbitrary>], iteration_bounds = array<i64: 5>, scalar_prefetch = 0 : i64, scratch_operands = 0 : i64, tpu.core_type = #tpu.core_type<tc>, window_params = [{transform_indices = @transform_0, window_bounds = array<i64: 20000, 128>}, {pipeline_mode = #tpu.pipeline_mode<synchronous>, transform_indices = @transform_1, window_bounds = array<i64: 1, 128>}, {pipeline_mode = #tpu.pipeline_mode<synchronous>, transform_indices = @transform_2, window_bounds = array<i64: 32, 3, 128>}, {pipeline_mode = #tpu.pipeline_mode<synchronous>, transform_indices = @transform_3, window_bounds = array<i64: 8, 128>}, {transform_indices = @transform_4, window_bounds = array<i64: 1, 3, 20000>}]} {
    %get3A = arith.constant 0 : index
    %get3A_0 = arith.constant 0 : index
    %get3A_1 = vector.load %arg1[%get3A, %get3A_0] : memref<20000x128xf32, #tpu.memory_space<vmem>>, vector<20000x128xf32>
    %get3A_2 = arith.constant 0 : index
    %get3A_3 = arith.constant 0 : index
    %get3A_4 = vector.load %arg2[%get3A_2, %get3A_3] : memref<1x128xf32, #tpu.memory_space<vmem>>, vector<1x128xf32>
    %mul3A = vector.broadcast %get3A_4 : vector<1x128xf32> to vector<20000x128xf32>
    %mul3A_5 = arith.mulf %get3A_1, %mul3A : vector<20000x128xf32>
    %gt3A = arith.constant 0.000000e+00 : f32
    %gt3A_6 = vector.broadcast %gt3A : f32 to vector<20000x128xf32>
    %gt3A_7 = arith.cmpf ogt, %mul3A_5, %gt3A_6 : vector<20000x128xf32>
    %exp3A = math.exp %mul3A_5 : vector<20000x128xf32>
    %sub3A = arith.constant 1.000000e+00 : f32
    %sub3A_8 = vector.broadcast %sub3A : f32 to vector<20000x128xf32>
    %sub3A_9 = arith.subf %exp3A, %sub3A_8 : vector<20000x128xf32>
    %select_n3A = arith.select %gt3A_7, %mul3A_5, %sub3A_9 : vector<20000x128xi1>, vector<20000x128xf32>
    %get3A_10 = arith.constant 0 : index
    %get3A_11 = arith.constant 0 : index
    %get3A_12 = arith.constant 0 : index
    %get3A_13 = vector.load %arg3[%get3A_10, %get3A_11, %get3A_12] : memref<32x3x128xf32, #tpu.memory_space<vmem>>, vector<32x3x128xf32>
    %reduce_sum3A = arith.constant dense<0.000000e+00> : vector<3x128xf32>
    %reduce_sum3A_14 = vector.multi_reduction <add>, %get3A_13, %reduce_sum3A [0] : vector<32x3x128xf32> to vector<3x128xf32>
    %get3A_15 = arith.constant 0 : index
    %get3A_16 = arith.constant 0 : index
    %get3A_17 = vector.load %arg4[%get3A_15, %get3A_16] : memref<8x128xf32, #tpu.memory_space<vmem>>, vector<3x128xf32>
    %add3A = arith.addf %reduce_sum3A_14, %get3A_17 : vector<3x128xf32>
    %mul3A_18 = arith.constant 2.000000e-05 : f32
    %mul3A_19 = vector.broadcast %mul3A_18 : f32 to vector<3x128xf32>
    %mul3A_20 = arith.mulf %add3A, %mul3A_19 : vector<3x128xf32>
    %mul3A_21 = arith.mulf %mul3A_20, %mul3A_20 : vector<3x128xf32>
    %reduce_sum3A_22 = arith.constant dense<0.000000e+00> : vector<3xf32>
    %reduce_sum3A_23 = vector.multi_reduction <add>, %mul3A_21, %reduce_sum3A_22 [1] : vector<3x128xf32> to vector<3xf32>
    %broadcast_in_dim3A = vector.shape_cast %reduce_sum3A_23 : vector<3xf32> to vector<3x1xf32>
    %sqrt3A = math.sqrt %broadcast_in_dim3A : vector<3x1xf32>
    %max3A = arith.constant 9.99999993E-9 : f32
    %max3A_24 = vector.broadcast %max3A : f32 to vector<3x1xf32>
    %max3A_25 = arith.maximumf %sqrt3A, %max3A_24 : vector<3x1xf32>
    %div3A = vector.broadcast %max3A_25 : vector<3x1xf32> to vector<3x128xf32>
    %div3A_26 = arith.divf %mul3A_20, %div3A : vector<3x128xf32>
    %dot_general3A = arith.constant dense<0.000000e+00> : vector<3x20000xf32>
    %dot_general3A_27 = tpu.matmul %div3A_26, %select_n3A, %dot_general3A {dimension_numbers = #tpu.dot_dimension_numbers<[1], [1], [0], [0], [0, 0, 1, 0], [], []>, transpose_lhs_hint = false} : vector<3x128xf32>, vector<20000x128xf32>, vector<3x20000xf32> -> vector<3x20000xf32>
    %broadcast_in_dim3A_28 = arith.constant 1.000000e+00 : f32
    %broadcast_in_dim3A_29 = vector.broadcast %broadcast_in_dim3A_28 : f32 to vector<8x128xf32>
    %mul3A_30 = arith.mulf %select_n3A, %select_n3A : vector<20000x128xf32>
    %dot_general3A_31 = arith.constant dense<0.000000e+00> : vector<8x20000xf32>
    %dot_general3A_32 = tpu.matmul %broadcast_in_dim3A_29, %mul3A_30, %dot_general3A_31 {dimension_numbers = #tpu.dot_dimension_numbers<[1], [1], [0], [0], [0, 0, 1, 0], [], []>, transpose_lhs_hint = false} : vector<8x128xf32>, vector<20000x128xf32>, vector<8x20000xf32> -> vector<8x20000xf32>
    %slice3A = vector.extract_strided_slice %dot_general3A_32 {offsets = [0, 0], sizes = [1, 20000], strides = [1, 1]} : vector<8x20000xf32> to vector<1x20000xf32>
    %sqrt3A_33 = math.sqrt %slice3A : vector<1x20000xf32>
    %max3A_34 = arith.constant 9.99999993E-9 : f32
    %max3A_35 = vector.broadcast %max3A_34 : f32 to vector<1x20000xf32>
    %max3A_36 = arith.maximumf %sqrt3A_33, %max3A_35 : vector<1x20000xf32>
    %div3A_37 = arith.constant 1.000000e+00 : f32
    %div3A_38 = vector.broadcast %div3A_37 : f32 to vector<1x20000xf32>
    %div3A_39 = arith.divf %div3A_38, %max3A_36 : vector<1x20000xf32>
    %mul3A_40 = vector.broadcast %div3A_39 : vector<1x20000xf32> to vector<3x20000xf32>
    %mul3A_41 = arith.mulf %dot_general3A_27, %mul3A_40 : vector<3x20000xf32>
    %reduce_max3A = arith.constant dense<0xFF800000> : vector<20000xf32>
    %reduce_max3A_42 = vector.multi_reduction <maximumf>, %mul3A_41, %reduce_max3A [0] : vector<3x20000xf32> to vector<20000xf32>
    %broadcast_in_dim3A_43 = vector.shape_cast %reduce_max3A_42 : vector<20000xf32> to vector<1x20000xf32>
    %sub3A_44 = vector.broadcast %broadcast_in_dim3A_43 : vector<1x20000xf32> to vector<3x20000xf32>
    %sub3A_45 = arith.subf %mul3A_41, %sub3A_44 : vector<3x20000xf32>
    %exp3A_46 = math.exp %sub3A_45 : vector<3x20000xf32>
    %reduce_sum3A_47 = arith.constant dense<0.000000e+00> : vector<20000xf32>
    %reduce_sum3A_48 = vector.multi_reduction <add>, %exp3A_46, %reduce_sum3A_47 [0] : vector<3x20000xf32> to vector<20000xf32>
    %broadcast_in_dim3A_49 = vector.shape_cast %reduce_sum3A_48 : vector<20000xf32> to vector<1x20000xf32>
    %div3A_50 = arith.constant 1.000000e+00 : f32
    %div3A_51 = vector.broadcast %div3A_50 : f32 to vector<1x20000xf32>
    %div3A_52 = arith.divf %div3A_51, %broadcast_in_dim3A_49 : vector<1x20000xf32>
    %mul3A_53 = vector.broadcast %div3A_52 : vector<1x20000xf32> to vector<3x20000xf32>
    %mul3A_54 = arith.mulf %exp3A_46, %mul3A_53 : vector<3x20000xf32>
    %swap3A = arith.constant 0 : index
    %swap3A_55 = arith.constant 0 : index
    %swap3A_56 = arith.constant 0 : index
    %swap3A_57 = vector.load %arg5[%swap3A, %swap3A_55, %swap3A_56] : memref<1x3x20000xf32, #tpu.memory_space<vmem>>, vector<1x3x20000xf32>
    %swap3A_58 = vector.shape_cast %swap3A_57 : vector<1x3x20000xf32> to vector<3x20000xf32>
    %swap3A_59 = vector.shape_cast %mul3A_54 : vector<3x20000xf32> to vector<1x3x20000xf32>
    tpu.vector_store %arg5[%swap3A, %swap3A_55, %swap3A_56], %swap3A_59 {strides = array<i32>} : memref<1x3x20000xf32, #tpu.memory_space<vmem>>, vector<1x3x20000xf32>,
    return
  }
  func.func @transform_0(%arg0: i32) -> (i32, i32) {
    %c0_i32 = arith.constant 0 : i32
    %c0_i32_0 = arith.constant 0 : i32
    return %arg0, %c0_i32 : i32, i32
  }
  func.func @transform_1(%arg0: i32) -> (i32, i32) {
    %c0_i32 = arith.constant 0 : i32
    %c0_i32_0 = arith.constant 0 : i32
    %c0_i32_1 = arith.constant 0 : i32
    return %c0_i32, %c0_i32_0 : i32, i32
  }
  func.func @transform_2(%arg0: i32) -> (i32, i32, i32) {
    %c0_i32 = arith.constant 0 : i32
    %c0_i32_0 = arith.constant 0 : i32
    %c0_i32_1 = arith.constant 0 : i32
    %c0_i32_2 = arith.constant 0 : i32
    return %c0_i32, %c0_i32_0, %c0_i32_1 : i32, i32, i32
  }
  func.func @transform_3(%arg0: i32) -> (i32, i32) {
    %c0_i32 = arith.constant 0 : i32
    %c0_i32_0 = arith.constant 0 : i32
    %c0_i32_1 = arith.constant 0 : i32
    return %c0_i32, %c0_i32_0 : i32, i32
  }
  func.func @transform_4(%arg0: i32) -> (i32, i32, i32) {
    %c0_i32 = arith.constant 0 : i32
    %c0_i32_0 = arith.constant 0 : i32
    %c0_i32_1 = arith.constant 0 : i32
    return %arg0, %c0_i32, %c0_i32_0 : i32, i32, i32
  }
}

</mosaic_0001>

<sc_bundles>
// kernel: kernel.5.cloned.1.call-start
scs
__scs_entry_jumppad:
0x0: {  	(pc) =	sbr.rel $0x88, $3  }
0x1: {  	(tag) =	ssettag $0x0;
	lr =	simm.s32 $0x1  }
0x2: {  	[smem:$0x3F9D] =	sst lr;
	_ =	strace $0xD0000000  }
0x3: {  	_ = 	snop  }
0x4: {  	_ = 	snop  }
0x5: {  	_ = 	snop  }
0x6: {  	_ = 	snop  }
0x7: {  	_ = 	snop  }
__scs_overlays_trampoline_lowered:
0x8: {  	[smem:$0x3FAC] =	sst s0  }
0x9: {  	[smem:$0x3FAD] =	sst s1  }
0xa: {  	[smem:$0x3FAE] =	sst s2  }
0xb: {  	[smem:$0x3FAF] =	sst s3  }
0xc: {  	[smem:$0x3FB0] =	sst s4  }
0xd: {  	[smem:$0x3FB1] =	sst s5  }
0xe: {  	[smem:$0x3FB2] =	sst s6  }
0xf: {  	[smem:$0x3FB3] =	sst s7  }
0x10: {  	[smem:$0x3FB4] =	sst s8  }
0x11: {  	[smem:$0x3FB5] =	sst s9;
	s0 =	simm.s32 @!p0 $0x0  }
0x12: {  	s1 =	sld [smem:$0x3F9B];
	s0 =	simm.s32 @p0 $0x1  }
0x13: {  	[smem:$0x3FB6] =	sst s0;
	s0 =	simm.s32 @!p1 $0x0  }
0x14: {  	s2 =	sld [smem:$0x3F9A];
	s0 =	simm.s32 @p1 $0x1  }
0x15: {  	[smem:$0x3FB7] =	sst s0;
	s0 =	simm.s32 @!p2 $0x0  }
0x16: {  	s3 =	sld [smem:$0x3FDB];
	s0 =	simm.s32 @p2 $0x1  }
0x17: {  	s4 =	simm.s32 $0x1BF5;
	[smem:$0x3FB9] =	sst s0  }
0x18: {  	s0 =	sld [smem:$0x3F9C];
	_ =	swait.ge [sflag:s4], $0x0  }
0x19: {  	s7 =	sld [smem:$0x3F9D]  }
0x1a: {  	s8 =	sadd.s32 $0xFFFFE003, lr  }
0x1b: {  	s9 =	sadd.s32 $0xFFFFFEF7, lr;
	s5 =	simm.s32 $0xFFFFFFFF;
	p2 =	slt.u32 s8, $0xFFFFF086  }
0x1c: {  	p1 =	slt.u32 s9, $0xF7A;
	s5 =	simm.s32 @!p2 $0x0  }
0x1d: {  	s5 =	simm.s32 @p1 $0x1;
	p0 =	seq.s32 s7, s2  }
0x1e: {  	s7 =	smul.u32 @!p0 $0xF7A, s2;
	p2 =	seq.s32 @!p0 s5, $0x0  }
0x1f: {  	s9 =	smul.u32 $0xF7A, s1;
	s8 =	simm.s32 @!p0 $0x1BF5;
	p2 =	por !p2, p0  }
0x20: {  	[sflag:s8] =	ssyncset.s32 @!p0 $0xFFFFF086;
	s6 =	sadd.s32 @!p0 s3, s7;
	s7 =	simm.s32 @!p0 $0x108  }
0x21: {  	s3 =	sadd.s32 s3, s9;
	s6 =	sadd.s32 @!p0 $0x88, s6;
	s7 =	simm.s32 @p2 $0x1082  }
0x22: {  	[simem:s7], [sflag:s8] =	dma.local @!p0 [hbm:s6], $0xF7A  }
0x23: {  	s9 =	sor.u32 $0xD0000000, s2;
	s6 =	simm.s32 $0x108;
	_ =	swait.ge @!p0 [sflag:s8], $0x0  }
0x24: {  	s3 =	sadd.s32 $0x88, s3;
	s6 =	simm.s32 @!p1 $0x1082;
	[sflag:s4] =	ssyncset.s32 $0xFFFFF086  }
0x25: {  	[simem:s6], [sflag:s4] =	dma.local [hbm:s3], $0xF7A  }
0x26: {  	[smem:$0x3F9D] =	sst s1;
	(tag) =	ssettag s2;
	_ =	strace s9  }
0x27: {  	s1 =	sld [smem:$0x3FAD]  }
0x28: {  	s2 =	sld [smem:$0x3FAE]  }
0x29: {  	s4 =	sld [smem:$0x3FB0]  }
0x2a: {  	p0 =	seq.s32 s5, $0x0;
	s5 =	sld [smem:$0x3FB1]  }
0x2b: {  	s6 =	sld [smem:$0x3FB2]  }
0x2c: {  	s7 =	sld [smem:$0x3FB3]  }
0x2d: {  	s3 =	simm.s32 $0x108;
	s8 =	sld [smem:$0x3FB4]  }
0x2e: {  	s3 =	simm.s32 @!p0 $0x1082;
	s9 =	sld [smem:$0x3FB5]  }
0x2f: {  	lr =	sadd.s32 s0, s3;
	s0 =	sld [smem:$0x3FAC]  }
0x30: {  	s3 =	sld [smem:$0x3FAF]  }
0x31: {  	[smem:$0x3FB8] =	sst s10  }
0x32: {  	s10 =	sld [smem:$0x3FB6];
	_ =	sdelay $0x3  }
0x33: {  	p0 =	seq.s32 s10, $0x1;
	s10 =	sld [smem:$0x3FB8];
	_ =	sdelay $0x3  }
0x34: {  	[smem:$0x3FB8] =	sst s10  }
0x35: {  	s10 =	sld [smem:$0x3FB7];
	_ =	sdelay $0x3  }
0x36: {  	p1 =	seq.s32 s10, $0x1;
	s10 =	sld [smem:$0x3FB8];
	_ =	sdelay $0x3  }
0x37: {  	[smem:$0x3FB8] =	sst s10  }
0x38: {  	s10 =	sld [smem:$0x3FB9]  }
0x39: {  	_ = 	snop;
	(pc) =	sbr.ind lr, $3  }
0x3a: {  	_ = 	snop  }
0x3b: {  	_ = 	snop  }
0x3c: {  	p2 =	seq.s32 s10, $0x1;
	s10 =	sld [smem:$0x3FB8]  }
0x3d: {  	_ =	shalt  }
0x3e: {  	_ =	shalt  }
0x3f: {  	_ =	shalt  }
0x40: {  	_ =	shalt  }
0x41: {  	_ =	shalt  }
0x42: {  	_ =	shalt  }
0x43: {  	_ =	shalt  }
0x44: {  	_ =	shalt  }
0x45: {  	_ =	shalt  }
0x46: {  	_ =	shalt  }
0x47: {  	_ =	shalt  }
0x48: {  	_ =	shalt  }
0x49: {  	_ =	shalt  }
0x4a: {  	_ =	shalt  }
0x4b: {  	_ =	shalt  }
0x4c: {  	_ =	shalt  }
0x4d: {  	_ =	shalt  }
0x4e: {  	_ =	shalt  }
0x4f: {  	_ =	shalt  }
0x50: {  	_ =	shalt  }
0x51: {  	_ =	shalt  }
0x52: {  	_ =	shalt  }
0x53: {  	_ =	shalt  }
0x54: {  	_ =	shalt  }
0x55: {  	_ =	shalt  }
0x56: {  	_ =	shalt  }
0x57: {  	_ =	shalt  }
0x58: {  	_ =	shalt  }
0x59: {  	_ =	shalt  }
0x5a: {  	_ =	shalt  }
0x5b: {  	_ =	shalt  }
0x5c: {  	_ =	shalt  }
0x5d: {  	_ =	shalt  }
0x5e: {  	_ =	shalt  }
0x5f: {  	_ =	shalt  }
0x60: {  	_ =	shalt  }
0x61: {  	_ =	shalt  }
0x62: {  	_ =	shalt  }
0x63: {  	_ =	shalt  }
0x64: {  	_ =	shalt  }
0x65: {  	_ =	shalt  }
0x66: {  	_ =	shalt  }
0x67: {  	_ =	shalt  }
0x68: {  	_ =	shalt  }
0x69: {  	_ =	shalt  }
0x6a: {  	_ =	shalt  }
0x6b: {  	_ =	shalt  }
0x6c: {  	_ =	shalt  }
0x6d: {  	_ =	shalt  }
0x6e: {  	_ =	shalt  }
0x6f: {  	_ =	shalt  }
0x70: {  	_ =	shalt  }
0x71: {  	_ =	shalt  }
0x72: {  	_ =	shalt  }
0x73: {  	_ =	shalt  }
0x74: {  	_ =	shalt  }
0x75: {  	_ =	shalt  }
0x76: {  	_ =	shalt  }
0x77: {  	_ =	shalt  }
0x78: {  	_ =	shalt  }
0x79: {  	_ =	shalt  }
0x7a: {  	_ =	shalt  }
0x7b: {  	_ =	shalt  }
0x7c: {  	_ =	shalt  }
0x7d: {  	_ =	shalt  }
0x7e: {  	_ =	shalt  }
0x7f: {  	_ =	shalt  }
0x80: {  	_ =	shalt  }
0x81: {  	_ =	shalt  }
0x82: {  	_ =	shalt  }
0x83: {  	_ =	shalt  }
0x84: {  	_ =	shalt  }
0x85: {  	_ =	shalt  }
0x86: {  	_ =	shalt  }
0x87: {  	_ =	shalt  }
.Lfunc_end0:
.L_simem_size_0:
called_computation_lowered:
.L_overlay_start_0:
0x88: {  	s2 =	sld [smem:$0x3FD9]  }
0x89: {  	s3 =	sld [smem:$0x3FFE];
	_ =	sdelay $0x1  }
0x8a: {  	s1 =	srdreg.scid  }
0x8b: {  	s0 =	sand.u32 $0x1, s1  }
0x8c: {  	s18 =	sshll.u32 s0, $0xA;
	s2 =	sadd.s32 s3, s2  }
0x8d: {  	s2 =	sadd.s32 s2, s18  }
0x8e: {  	[smem:$0x3FC4] =	sst s2  }
0x8f: {  	_ = 	snop  }
0x90: {  	s2 =	sld [smem:$0x3FC8]  }
0x91: {  	s19 =	sld [smem:$0x3FC7]  }
0x92: {  	s4 =	sld [smem:$0x3FD0];
	(tm) =	ssettm $0x1  }
0x93: {  	s5 =	sld [smem:$0x3FFB];
	_ =	sdelay $0x3  }
0x94: {  	_ =	strace s5  }
0x95: {  	s5 =	sld [smem:$0x3FFC];
	_ =	sdelay $0x3  }
0x96: {  	_ =	strace s5  }
0x97: {  	s5 =	sld [smem:$0x3FFD];
	_ =	sdelay $0x3  }
0x98: {  	_ =	strace s5  }
0x99: {  	_ =	strace $0x8FFFFFFF  }
0x9a: {  	s20 =	sld [smem:$0x3FDB];
	_ =	sdelay $0x1  }
0x9b: {  	s6 =	simm.s32 $_scs_section_size  }
0x9c: {  	s7 =	simm.s32 $_size__tile_overlayer_lowered;
	s8 =	simm.s32 $_tile_overlayer_lowered  }
0x9d: {  	s23 =	simm.s32 $0x1BFF;
	s22 =	sshll.u32 s8, $0x1;
	s5 =	sadd.s32 s6, s20  }
0x9e: {  	s9 =	simm.s32 $0x0;
	s21 =	sshll.u32 s7, $0x1;
	s7 =	sadd.s32 s22, s5  }
0x9f: {  	[timem:s9], [sflag:s23] =	dma.local [hbm:s7], s21  }
0xa0: {  	_ =	swait.ge [sflag:s23], s21  }
0xa1: {  	s6 =	ssub.s32 $0x0, s21;
	[sflag:s23] =	ssyncset.done $0x0  }
0xa2: {  	[sflag:s23] =	ssyncadd.s32 s6;
	_ =	sdelay $0x1  }
0xa3: {  	s24 =	simm.s32 $0x1B8B  }
0xa4: {  	_ =	swait.ge [sflag:s24], $0x1  }
0xa5: {  	[sflag:s24] =	ssyncset.done $0x0  }
0xa6: {  	s25 =	simm.s32 $0x1B8E;
	[sflag:s24] =	ssyncadd.s32 $0xFFFFFFFF  }
0xa7: {  	s26 =	simm.s32 $execute0_lowered;
	[smem:$0x3FD2] =	sst s25  }
0xa8: {  	s6 =	sshll.u32 s26, $0x1;
	_ =	strace $0x80000046;
	[dreg:$0x1] =	wrdreg $0xFFFFFFFF  }
0xa9: {  	s28 =	simm.s32 $_size_execute0_lowered;
	s5 =	sadd.s32 s5, s6;
	[dreg:$0x0] =	wrdreg $0x0  }
0xaa: {  	s6 =	sshll.u32 s28, $0x1;
	[dreg:$0x2] =	wrdreg s5  }
0xab: {  	[dreg:$0x3] =	wrdreg s6  }
0xac: {  	[dreg:$0x4] =	wrdreg $0xC0  }
0xad: {  	_ =	task [dreg:s9], $0x5FFFF  }
0xae: {  	[dreg:$0x1] =	wrdreg $0xFFFFFFFF  }
0xaf: {  	[dreg:$0x0] =	wrdreg $0x60  }
0xb0: {  	[dreg:$0x2] =	wrdreg s2  }
0xb1: {  	[dreg:$0x3] =	wrdreg s19  }
0xb2: {  	[dreg:$0x4] =	wrdreg s4  }
0xb3: {  	[dreg:$0x5] =	wrdreg $0x19A000  }
0xb4: {  	[dreg:$0x6] =	wrdreg $0x9  }
0xb5: {  	_ =	task.clear_ibuf [dreg:s9], $0x7FFFF;
	_ =	strace $0x90000046  }
0xb6: {  	s29 =	simm.s32 $0x9;
	_ =	strace $0x80000048  }
0xb7: {  	_ =	swait.ge [sflag:s29], $0x1  }
0xb8: {  	[sflag:s29] =	ssyncadd.s32 $0xFFFFFFFF  }
0xb9: {  	_ =	strace $0x90000048  }
0xba: {  	_ =	sfence  }
0xbb: {  	s30 =	sld [smem:$0x0];
	_ =	sdelay $0x2  }
0xbc: {  	s31 =	sshll.u32 s1, $0xD;
	s1 =	sshrl.u32 s1, $0x2  }
0xbd: {  	s3 =	sand.u32 $0x4000, s31;
	s1 =	sadd.s32 s1, s30  }
0xbe: {  	s0 =	sor.u32 s3, s0;
	s1 =	sshll.u32 s1, $0x11  }
0xbf: {  	s0 =	sor.u32 s1, s0  }
0xc0: {  	s0 =	sadd.s32 $0x8F2B, s0  }
0xc1: {  	[sflag:s0] =	ssyncadd.remote.s32 $0x1  }
0xc2: {  	_ =	sfence.sel $0xFFFF  }
0xc3: {  	[dreg:$0x0] =	wrdreg $0xFFFFFFFF;
	(pc) =	sbr.abs _section_cstart, $3  }
0xc4: {  	[dreg:$0x1] =	wrdreg $0xFFFFFFFF  }
0xc5: {  	_ =	task.clear_ibuf [dreg:s9], $0x2FFFF;
	_ =	strace $0x9FFFFFFF  }
0xc6: {  	(tm) =	ssettm $0x7FFFFFFF  }
0xc7: {  	_ =	shalt  }
tec
execute0_lowered:
.L_overlay_start_1:
0x0: {  	(tag) =	ssettag $0x1  }
0x1: {  	s1 =	rddreg [dreg:$0x0]  }
0x2: {  	s2 =	rddreg [dreg:$0x1]  }
0x3: {  	s0 =	rddreg [dreg:$0x2]  }
0x4: {  	s4 =	rddreg [dreg:$0x3]  }
0x5: {  	s3 =	srdreg.scid;
	s11 =	stileid.u32  }
0x6: {  	s5 =	simm.s32 $0x0;
	s14 =	simm.s32 $0x4;
	s16 =	simm.s32 $0x1  }
0x7: {  	s17 =	simm.s32 $0x50;
	s18 =	simm.s32 $0x19400;
	s19 =	simm.s32 $0x19480  }
0x8: {  	s20 =	simm.s32 $0x2800;
	s21 =	simm.s32 $0x19500;
	s22 =	simm.s32 $0x5000  }
0x9: {  	s28 =	simm.s32 $0x3;
	s29 =	simm.s32 $0x2;
	s30 =	simm.s32 $0xC800  }
0xa: {  	s31 =	simm.s32 $0xF000;
	s15 =	simm.s32 $0x16800;
	s3 =	sand.u32 $0x1, s3  }
0xb: {  	s6 =	sshll.u32 s11, $0x1;
	[smem:$0x7FF] =	sst s5;
	s7 =	smul.u32 $0x600, s11  }
0xc: {  	s13 =	smul.u32 $0x3, s11;
	s6 =	sor.u32 s3, s6;
	s3 =	ssub.s32 $0x2, s3  }
0xd: {  	_ =	strace $0x80000047;
	s8 =	sadd.s32 $0x96, s6;
	s9 =	sshrl.u32 s3, $0x1  }
0xe: {  	s7 =	sshrl.u32 s7, $0x2;
	s25 =	sshll.u32 s6, $0x6;
	s10 =	smul.u32 $0x1900, s8  }
0xf: {  	v0 =	vmov s13;
	s13 =	simm.s32 $0x14000;
	s3 =	ssub.s32 s3, s9;
	s8 =	smul.u32 $0x32, s8  }
0x10: {  	s9 =	sadd.s32 s7, s4;
	s0 =	sadd.s32 s0, s25;
	s25 =	simm.s32 $0x19600  }
.Ltmp0:
0x11: {  	[dreg:$0x8] =	wrdreg s0;
	s26 =	smax.u32 s3, $0x1;
	(pc) =	sbr.rel .LBB2_1-.Ltmp0, $4  }
0x12: {  	s0 =	simm.s32 $0x11800;
	s3 =	simm.s32 $0x0;
	[dreg:$0x5] =	wrdreg s9  }
0x13: {  	s23 =	sadd.s32 s1, s10;
	s24 =	sadd.s32 s2, s8;
	[dreg:$0x9] =	wrdreg s26  }
0x14: {  	s10 =	sadd.s32 $0xD6, s6;
	s26 =	simm.s32 $0xA000;
	[dreg:$0x6] =	wrdreg s23  }
0x15: {  	v1 =	vimm.f32 $0.0e+00;
	[dreg:$0x7] =	wrdreg s24;
	s23 =	simm.s32 $0x19580;
	s24 =	simm.s32 $0x7800  }
.LBB2_5:
0x16: {  	s7 =	stileid.u32  }
0x17: {  	s9 =	rddreg [dreg:$0x5];
	s7 =	sshll.u32 s7, $0x6  }
0x18: {  	s11 =	rddreg [dreg:$0x8];
	s8 =	sshrl.u32 s9, $0x3;
	s7 =	sor.u32 $0x1C04, s7  }
0x19: {  	[hbm:s11], [sflag:s7] =	dma.local [spmem:s8], $0x30  }
0x1a: {  	_ =	swait.ge [sflag:s14], $0x30  }
0x1b: {  	s3 =	sadd.s32 $0x1, s3;
	s12 =	rddreg [dreg:$0x9]  }
0x1c: {  	p0 =	sne.s32 s3, s12  }
.Ltmp1:
0x1d: {  	_ = 	snop;
	(pc) =	sbr.rel @!p0 .LBB2_6-.Ltmp1, $3  }
0x1e: {  	_ =	sdelay $0x1  }
0x1f: {  	[sflag:s14] =	ssyncset.done $0x0  }
0x20: {  	[sflag:s14] =	ssyncadd.s32 $0xFFFFFFD0  }
.LBB2_1:
0x21: {  	[tilespmem:$0x19800] =	vst v1  }
0x22: {  	[tilespmem:$0x19810] =	vst v1  }
0x23: {  	[tilespmem:$0x19820] =	vst v1  }
0x24: {  	[tilespmem:$0x19830] =	vst v1  }
0x25: {  	[tilespmem:$0x19840] =	vst v1  }
0x26: {  	[tilespmem:$0x19850] =	vst v1  }
0x27: {  	[tilespmem:$0x19860] =	vst v1  }
0x28: {  	[tilespmem:$0x19870] =	vst v1  }
0x29: {  	[tilespmem:$0x19880] =	vst v1  }
0x2a: {  	[tilespmem:$0x19890] =	vst v1  }
0x2b: {  	[tilespmem:$0x198A0] =	vst v1  }
0x2c: {  	[tilespmem:$0x198B0] =	vst v1  }
0x2d: {  	[tilespmem:$0x198C0] =	vst v1  }
0x2e: {  	[tilespmem:$0x198D0] =	vst v1  }
0x2f: {  	[tilespmem:$0x198E0] =	vst v1  }
0x30: {  	[tilespmem:$0x198F0] =	vst v1  }
0x31: {  	[tilespmem:$0x19900] =	vst v1  }
0x32: {  	[tilespmem:$0x19910] =	vst v1  }
0x33: {  	[tilespmem:$0x19920] =	vst v1  }
0x34: {  	[tilespmem:$0x19930] =	vst v1  }
0x35: {  	[tilespmem:$0x19940] =	vst v1  }
0x36: {  	[tilespmem:$0x19950] =	vst v1  }
0x37: {  	[tilespmem:$0x19960] =	vst v1  }
0x38: {  	[tilespmem:$0x19970] =	vst v1;
	s7 =	simm.s32 $0x19800  }
0x39: {  	[spmem:s9] =	stream.linear.scatter [tilespmem:s7], [sflag:$0x4], $0x180, $0x38;
	[tilespmem:$0x19B80] =	vst v63  }
0x3a: {  	_ =	swait.ge [sflag:s14], $0x180  }
0x3b: {  	[sflag:s14] =	ssyncset.done $0x0  }
.Ltmp2:
0x3c: {  	s11 =	rddreg [dreg:$0x6];
	[sflag:s14] =	ssyncadd.s32 $0xFFFFFE80;
	(pc) =	sbr.rel .LBB2_2-.Ltmp2, $4  }
0x3d: {  	[tilespmem:s5], [sflag:$0x1] =	stream.linear.gather [hbm4b:s11+s5], $0xC800, $0x38;
	[tilespmem:$0x19B80] =	vst v63  }
0x3e: {  	s8 =	simm.s32 $0x19000;
	s12 =	rddreg [dreg:$0x7]  }
0x3f: {  	[tilespmem:s8], [sflag:$0x1] =	stream.linear.gather [hbm4b:s12+s5], $0x190, $0x38;
	[tilespmem:$0x19B80] =	vst v63  }
0x40: {  	p0 =	por $0x1, $0x1;
	s8 =	simm.s32 $0x0  }
.LBB2_4:
.Ltmp3:
0x41: {  	(pc) =	sbr.rel @!p2 .LBB2_5-.Ltmp3, $2  }
0x42: {  	_ =	sdelay $0x2  }
0x43: {  	s8 =	simm.s32 $0x40;
	p0 =	por $0x0, $0x0  }
.LBB2_2:
0x44: {  	s9 =	sadd.s32 s8, s6  }
0x45: {  	s9 =	sadd.s32 $0xB6, s9  }
0x46: {  	p1 =	sgt.u32 s9, $0xF9  }
0x47: {  	s11 =	smul.u32 @!p1 $0x1900, s9  }
0x48: {  	s12 =	simm.s32 @!p1 $0x0  }
0x49: {  	s7 =	simm.s32 @!p1 $0xC800;
	s9 =	smul.u32 @!p1 $0x32, s9;
	s11 =	sadd.s32 @!p1 s1, s11  }
0x4a: {  	[tilespmem:s7], [sflag:$0x2] =	stream.linear.gather @!p1 [hbm4b:s11+s12], $0xC800, $0x38;
	[tilespmem:$0x19B80] =	vst v63  }
0x4b: {  	s7 =	sadd.s32 @!p1 s2, s9;
	s9 =	simm.s32 @!p1 $0x19200  }
0x4c: {  	[tilespmem:s9], [sflag:$0x2] =	stream.linear.gather @!p1 [hbm4b:s7+s12], $0x190, $0x38;
	[tilespmem:$0x19B80] =	vst v63  }
0x4d: {  	_ =	swait.ge [sflag:s16], $0xC800  }
0x4e: {  	[sflag:s16] =	ssyncset.done $0x0  }
0x4f: {  	[sflag:s16] =	ssyncadd.s32 $0xFFFF3800  }
0x50: {  	_ =	swait.ge [sflag:s16], $0x190  }
0x51: {  	[sflag:s16] =	ssyncset.done $0x0  }
0x52: {  	[sflag:s16] =	ssyncadd.s32 $0xFFFFFE70  }
0x53: {  	v2 =	vld [tilespmem:$0x19000]  }
0x54: {  	v3 =	vld [tilespmem:$0x19010]  }
0x55: {  	v4 =	vld [tilespmem:$0x19020]  }
0x56: {  	v5 =	vld [tilespmem:$0x19030]  }
0x57: {  	v6 =	vld [tilespmem:$0x19040]  }
0x58: {  	v7 =	vld [tilespmem:$0x19050];
	v2 =	vadd.s32 v0, v2  }
0x59: {  	[tilespmem:$0x19400] =	vst v2;
	v2 =	vadd.s32 v0, v3;
	v3 =	vld [tilespmem:$0x19060]  }
0x5a: {  	v49 =	vld [tilespmem:$0x19070];
	[tilespmem:$0x19410] =	vst v2;
	v2 =	vadd.s32 v0, v4  }
0x5b: {  	v50 =	vld [tilespmem:$0x19080];
	[tilespmem:$0x19420] =	vst v2;
	v2 =	vadd.s32 v0, v5  }
0x5c: {  	v51 =	vld [tilespmem:$0x19090];
	[tilespmem:$0x19430] =	vst v2;
	v2 =	vadd.s32 v0, v6  }
0x5d: {  	v52 =	vld [tilespmem:$0x190A0];
	[tilespmem:$0x19440] =	vst v2;
	v2 =	vadd.s32 v0, v7  }
0x5e: {  	[tilespmem:$0x19480] =	vst v2;
	v2 =	vadd.s32 v0, v3;
	v3 =	vld [tilespmem:$0x190B0]  }
0x5f: {  	v53 =	vld [tilespmem:$0x190C0];
	[tilespmem:$0x19490] =	vst v2;
	v2 =	vadd.s32 v0, v49  }
0x60: {  	v54 =	vld [tilespmem:$0x190D0];
	[tilespmem:$0x194A0] =	vst v2;
	v2 =	vadd.s32 v0, v50  }
0x61: {  	v55 =	vld [tilespmem:$0x190E0];
	[tilespmem:$0x194B0] =	vst v2;
	v2 =	vadd.s32 v0, v51  }
0x62: {  	v56 =	vld [tilespmem:$0x190F0];
	[tilespmem:$0x194C0] =	vst v2;
	v2 =	vadd.s32 v0, v52  }
0x63: {  	[tilespmem:$0x19500] =	vst v2;
	v2 =	vadd.s32 v0, v3;
	v3 =	vld [tilespmem:$0x19100]  }
0x64: {  	v57 =	vld [tilespmem:$0x19110];
	[tilespmem:$0x19510] =	vst v2;
	v2 =	vadd.s32 v0, v53  }
0x65: {  	v58 =	vld [tilespmem:$0x19120];
	[tilespmem:$0x19520] =	vst v2;
	v2 =	vadd.s32 v0, v54  }
0x66: {  	v59 =	vld [tilespmem:$0x19130];
	[tilespmem:$0x19530] =	vst v2;
	v2 =	vadd.s32 v0, v55  }
0x67: {  	v60 =	vld [tilespmem:$0x19140];
	[tilespmem:$0x19540] =	vst v2;
	v2 =	vadd.s32 v0, v56  }
0x68: {  	[tilespmem:$0x19580] =	vst v2;
	v2 =	vadd.s32 v0, v3;
	v3 =	vld [tilespmem:$0x19150]  }
0x69: {  	v61 =	vld [tilespmem:$0x19160];
	[tilespmem:$0x19590] =	vst v2;
	v2 =	vadd.s32 v0, v57  }
0x6a: {  	v62 =	vld [tilespmem:$0x19170];
	[tilespmem:$0x195A0] =	vst v2;
	v2 =	vadd.s32 v0, v58  }
0x6b: {  	v63 =	vld [tilespmem:$0x19180];
	[tilespmem:$0x195B0] =	vst v2;
	v2 =	vadd.s32 v0, v59  }
0x6c: {  	[tilespmem:$0x195C0] =	vst v2;
	v2 =	vadd.s32 v0, v60  }
0x6d: {  	[tilespmem:$0x19600] =	vst v2;
	v2 =	vadd.s32 v0, v3  }
0x6e: {  	[tilespmem:$0x19610] =	vst v2;
	v2 =	vadd.s32 v0, v61  }
0x6f: {  	[tilespmem:$0x19620] =	vst v2;
	v2 =	vadd.s32 v0, v62  }
0x70: {  	[tilespmem:$0x19630] =	vst v2;
	v2 =	vadd.s32 v0, v63  }
0x71: {  	[tilespmem:$0x19640] =	vst v2  }
0x72: {  	[spmem:s4] =	stream.indirect.scatter.add.f32 [tilespmem:s5], [sflag:$0x3], $0x80, s18, s17, $0xb8;
	[tilespmem:$0x19B80] =	vst v63  }
0x73: {  	_ = 	snop  }
0x74: {  	[spmem:s4] =	stream.indirect.scatter.add.f32 [tilespmem:s20], [sflag:$0x3], $0x80, s19, s17, $0xb8;
	[tilespmem:$0x19B80] =	vst v63  }
0x75: {  	_ = 	snop  }
0x76: {  	[spmem:s4] =	stream.indirect.scatter.add.f32 [tilespmem:s22], [sflag:$0x3], $0x80, s21, s17, $0xb8;
	[tilespmem:$0x19B80] =	vst v63  }
0x77: {  	_ = 	snop  }
0x78: {  	[spmem:s4] =	stream.indirect.scatter.add.f32 [tilespmem:s24], [sflag:$0x3], $0x80, s23, s17, $0xb8;
	[tilespmem:$0x19B80] =	vst v63  }
0x79: {  	_ = 	snop  }
0x7a: {  	[spmem:s4] =	stream.indirect.scatter.add.f32 [tilespmem:s26], [sflag:$0x3], $0x80, s25, s17, $0xb8;
	[tilespmem:$0x19B80] =	vst v63  }
0x7b: {  	_ =	swait.ge [sflag:s28], $0x2800  }
0x7c: {  	[sflag:s28] =	ssyncset.done $0x0  }
0x7d: {  	[sflag:s28] =	ssyncadd.s32 $0xFFFFD800  }
0x7e: {  	_ =	swait.ge [sflag:s28], $0x2800  }
0x7f: {  	[sflag:s28] =	ssyncset.done $0x0  }
0x80: {  	[sflag:s28] =	ssyncadd.s32 $0xFFFFD800  }
0x81: {  	_ =	swait.ge [sflag:s28], $0x2800  }
0x82: {  	[sflag:s28] =	ssyncset.done $0x0  }
0x83: {  	[sflag:s28] =	ssyncadd.s32 $0xFFFFD800  }
0x84: {  	_ =	swait.ge [sflag:s28], $0x2800  }
0x85: {  	s7 =	sadd.s32 s8, s10;
	[sflag:s28] =	ssyncset.done $0x0  }
0x86: {  	p2 =	sgt.u32 s7, $0xF9;
	[sflag:s28] =	ssyncadd.s32 $0xFFFFD800  }
0x87: {  	s8 =	smul.u32 @!p2 $0x1900, s7;
	_ =	swait.ge [sflag:s28], $0x2800  }
0x88: {  	s9 =	simm.s32 @!p2 $0x0;
	s7 =	smul.u32 @!p2 $0x32, s7;
	[sflag:s28] =	ssyncset.done $0x0  }
.Ltmp4:
0x89: {  	s8 =	sadd.s32 @!p2 s1, s8;
	[sflag:s28] =	ssyncadd.s32 $0xFFFFD800;
	(pc) =	sbr.rel @p1 .LBB2_4-.Ltmp4, $4  }
0x8a: {  	[tilespmem:s9], [sflag:$0x1] =	stream.linear.gather @!p2 [hbm4b:s8+s9], $0xC800, $0x38;
	[tilespmem:$0x19B80] =	vst v63  }
0x8b: {  	s7 =	sadd.s32 @!p2 s2, s7;
	s8 =	simm.s32 @!p2 $0x19000  }
0x8c: {  	[tilespmem:s8], [sflag:$0x1] =	stream.linear.gather @!p2 [hbm4b:s7+s9], $0x190, $0x38;
	[tilespmem:$0x19B80] =	vst v63  }
0x8d: {  	p2 =	por p0, p0  }
0x8e: {  	_ =	swait.ge [sflag:s29], $0xC800  }
0x8f: {  	[sflag:s29] =	ssyncset.done $0x0  }
0x90: {  	[sflag:s29] =	ssyncadd.s32 $0xFFFF3800  }
0x91: {  	_ =	swait.ge [sflag:s29], $0x190  }
0x92: {  	[sflag:s29] =	ssyncset.done $0x0  }
0x93: {  	[sflag:s29] =	ssyncadd.s32 $0xFFFFFE70  }
0x94: {  	v2 =	vld [tilespmem:$0x19200]  }
0x95: {  	v3 =	vld [tilespmem:$0x19210]  }
0x96: {  	v4 =	vld [tilespmem:$0x19220]  }
0x97: {  	v5 =	vld [tilespmem:$0x19230]  }
0x98: {  	v6 =	vld [tilespmem:$0x19240]  }
0x99: {  	v7 =	vld [tilespmem:$0x19250];
	v2 =	vadd.s32 v0, v2  }
0x9a: {  	[tilespmem:$0x19400] =	vst v2;
	v2 =	vadd.s32 v0, v3;
	v3 =	vld [tilespmem:$0x19260]  }
0x9b: {  	v49 =	vld [tilespmem:$0x19270];
	[tilespmem:$0x19410] =	vst v2;
	v2 =	vadd.s32 v0, v4  }
0x9c: {  	v50 =	vld [tilespmem:$0x19280];
	[tilespmem:$0x19420] =	vst v2;
	v2 =	vadd.s32 v0, v5  }
0x9d: {  	v51 =	vld [tilespmem:$0x19290];
	[tilespmem:$0x19430] =	vst v2;
	v2 =	vadd.s32 v0, v6  }
0x9e: {  	v52 =	vld [tilespmem:$0x192A0];
	[tilespmem:$0x19440] =	vst v2;
	v2 =	vadd.s32 v0, v7  }
0x9f: {  	[tilespmem:$0x19480] =	vst v2;
	v2 =	vadd.s32 v0, v3;
	v3 =	vld [tilespmem:$0x192B0]  }
0xa0: {  	v53 =	vld [tilespmem:$0x192C0];
	[tilespmem:$0x19490] =	vst v2;
	v2 =	vadd.s32 v0, v49  }
0xa1: {  	v54 =	vld [tilespmem:$0x192D0];
	[tilespmem:$0x194A0] =	vst v2;
	v2 =	vadd.s32 v0, v50  }
0xa2: {  	v55 =	vld [tilespmem:$0x192E0];
	[tilespmem:$0x194B0] =	vst v2;
	v2 =	vadd.s32 v0, v51  }
0xa3: {  	v56 =	vld [tilespmem:$0x192F0];
	[tilespmem:$0x194C0] =	vst v2;
	v2 =	vadd.s32 v0, v52  }
0xa4: {  	[tilespmem:$0x19500] =	vst v2;
	v2 =	vadd.s32 v0, v3;
	v3 =	vld [tilespmem:$0x19300]  }
0xa5: {  	v57 =	vld [tilespmem:$0x19310];
	[tilespmem:$0x19510] =	vst v2;
	v2 =	vadd.s32 v0, v53  }
0xa6: {  	v58 =	vld [tilespmem:$0x19320];
	[tilespmem:$0x19520] =	vst v2;
	v2 =	vadd.s32 v0, v54  }
0xa7: {  	v59 =	vld [tilespmem:$0x19330];
	[tilespmem:$0x19530] =	vst v2;
	v2 =	vadd.s32 v0, v55  }
0xa8: {  	v60 =	vld [tilespmem:$0x19340];
	[tilespmem:$0x19540] =	vst v2;
	v2 =	vadd.s32 v0, v56  }
0xa9: {  	[tilespmem:$0x19580] =	vst v2;
	v2 =	vadd.s32 v0, v3;
	v3 =	vld [tilespmem:$0x19350]  }
0xaa: {  	v61 =	vld [tilespmem:$0x19360];
	[tilespmem:$0x19590] =	vst v2;
	v2 =	vadd.s32 v0, v57  }
0xab: {  	v62 =	vld [tilespmem:$0x19370];
	[tilespmem:$0x195A0] =	vst v2;
	v2 =	vadd.s32 v0, v58  }
0xac: {  	v63 =	vld [tilespmem:$0x19380];
	[tilespmem:$0x195B0] =	vst v2;
	v2 =	vadd.s32 v0, v59  }
0xad: {  	[tilespmem:$0x195C0] =	vst v2;
	v2 =	vadd.s32 v0, v60  }
0xae: {  	[tilespmem:$0x19600] =	vst v2;
	v2 =	vadd.s32 v0, v3  }
0xaf: {  	[tilespmem:$0x19610] =	vst v2;
	v2 =	vadd.s32 v0, v61  }
0xb0: {  	[tilespmem:$0x19620] =	vst v2;
	v2 =	vadd.s32 v0, v62  }
0xb1: {  	[tilespmem:$0x19630] =	vst v2;
	v2 =	vadd.s32 v0, v63  }
0xb2: {  	[tilespmem:$0x19640] =	vst v2  }
0xb3: {  	[spmem:s4] =	stream.indirect.scatter.add.f32 [tilespmem:s30], [sflag:$0x3], $0x80, s18, s17, $0xb8;
	[tilespmem:$0x19B80] =	vst v63  }
0xb4: {  	_ = 	snop  }
0xb5: {  	[spmem:s4] =	stream.indirect.scatter.add.f32 [tilespmem:s31], [sflag:$0x3], $0x80, s19, s17, $0xb8;
	[tilespmem:$0x19B80] =	vst v63  }
0xb6: {  	_ = 	snop  }
0xb7: {  	[spmem:s4] =	stream.indirect.scatter.add.f32 [tilespmem:s0], [sflag:$0x3], $0x80, s21, s17, $0xb8;
	[tilespmem:$0x19B80] =	vst v63  }
0xb8: {  	_ = 	snop  }
0xb9: {  	[spmem:s4] =	stream.indirect.scatter.add.f32 [tilespmem:s13], [sflag:$0x3], $0x80, s23, s17, $0xb8;
	[tilespmem:$0x19B80] =	vst v63  }
0xba: {  	_ = 	snop  }
0xbb: {  	[spmem:s4] =	stream.indirect.scatter.add.f32 [tilespmem:s15], [sflag:$0x3], $0x80, s25, s17, $0xb8;
	[tilespmem:$0x19B80] =	vst v63  }
0xbc: {  	_ =	swait.ge [sflag:s28], $0x2800  }
0xbd: {  	[sflag:s28] =	ssyncset.done $0x0  }
0xbe: {  	[sflag:s28] =	ssyncadd.s32 $0xFFFFD800  }
0xbf: {  	_ =	swait.ge [sflag:s28], $0x2800  }
0xc0: {  	[sflag:s28] =	ssyncset.done $0x0  }
0xc1: {  	[sflag:s28] =	ssyncadd.s32 $0xFFFFD800  }
0xc2: {  	_ =	swait.ge [sflag:s28], $0x2800  }
0xc3: {  	[sflag:s28] =	ssyncset.done $0x0  }
0xc4: {  	[sflag:s28] =	ssyncadd.s32 $0xFFFFD800  }
0xc5: {  	_ =	swait.ge [sflag:s28], $0x2800  }
.Ltmp5:
0xc6: {  	[sflag:s28] =	ssyncset.done $0x0;
	(pc) =	sbr.rel .LBB2_4-.Ltmp5, $4  }
0xc7: {  	[sflag:s28] =	ssyncadd.s32 $0xFFFFD800  }
0xc8: {  	_ =	swait.ge [sflag:s28], $0x2800  }
0xc9: {  	[sflag:s28] =	ssyncset.done $0x0  }
0xca: {  	[sflag:s28] =	ssyncadd.s32 $0xFFFFD800  }
.LBB2_6:
0xcb: {  	_ =	sfence.sel $0x180000  }
0xcc: {  	[bflag:$0x0] =	sbarrier.arrive $0xFFFF  }
0xcd: {  	_ =	strace $0x90000047  }
0xce: {  	s0 =	stileid.u32;
	[bflag:$0x2] =	sbarrier.arrive $0xFFFF  }
0xcf: {  	p0 =	sne.s32 s0, $0x0;
	s0 =	rddreg [dreg:$0x4]  }
0xd0: {  	s0 =	sadd.s32 @!p0 $0x100000, s0  }
0xd1: {  	[sflag:s0] =	ssyncadd.tile.s32 @!p0 $0x1;
	_ =	shalt  }
.Lfunc_end2:
_tile_overlayer_lowered:
.L_overlay_start_2:
0xd2: {  	(tag) =	ssettag $0x2  }
0xd3: {  	s0 =	rddreg [dreg:$0x0];
	s2 =	stileid.u32  }
0xd4: {  	s1 =	rddreg [dreg:$0x1];
	p0 =	sne.s32 s2, $0x0  }
0xd5: {  	s3 =	rddreg [dreg:$0x2];
	[bflag:$0x3] =	sbarrier.arrive $0xFFFF;
	s2 =	simm.s32 @!p0 $0x1C04  }
0xd6: {  	[timem:s3], [sflag:s2] =	dma.local @!p0 [hbm:s0], s1  }
0xd7: {  	s0 =	simm.s32 @!p0 $0x4  }
0xd8: {  	_ =	swait.ge @!p0 [sflag:s0], s1  }
0xd9: {  	s1 =	ssub.s32 @!p0 $0x0, s1;
	[sflag:s0] =	ssyncset.done @!p0 $0x0  }
0xda: {  	[sflag:s0] =	ssyncadd.s32 @!p0 s1  }
0xdb: {  	[bflag:$0x3] =	sbarrier.arrive $0xFFFF  }
0xdc: {  	_ =	shalt  }

</sc_bundles>
